<compile_context>
chip_gen: v7x
topology: tpu7x:2x2x1
jax: 0.10.2.dev20260603
libtpu: 0.0.44.dev20260713+nightly
codegen_flags: <defaults>
</compile_context>

<pallas_src>
import functools

import jax
import jax.numpy as jnp
from jax import lax
from jax.experimental import pallas as pl
from jax.experimental.pallas import tpu as pltpu
from jax.experimental.pallas import tpu_sc as plsc

B = 16384
D = 32
NC = 2
NS = 16
NW = NC * NS
BPW = B // NW
CHUNK = 128
NCH = BPW // CHUNK

_mesh = plsc.VectorSubcoreMesh(core_axis_name="c", subcore_axis_name="s",
                               num_cores=NC)

_DNUMS = lax.GatherDimensionNumbers(
    offset_dims=(), collapsed_slice_dims=(0,), start_index_map=(0,))


def _shuffle(v, perm):
    return lax.gather(v, perm[:, None], _DNUMS, slice_sizes=(1,),
                      mode=lax.GatherScatterMode.PROMISE_IN_BOUNDS)


@functools.partial(
    pl.kernel,
    mesh=_mesh,
    compiler_params=pltpu.CompilerParams(use_tc_tiling_on_sc=False,
                                         needs_layout_passes=False),
    out_type=jax.ShapeDtypeStruct((B,), jnp.float32),
    scratch_types=[
        pltpu.VMEM((BPW,), jnp.int32),
        pltpu.VMEM((BPW,), jnp.int32),
        pltpu.VMEM((BPW,), jnp.int32),
        pltpu.VMEM((BPW, D), jnp.float32),
        pltpu.VMEM((BPW, D), jnp.float32),
        pltpu.VMEM((BPW, D), jnp.float32),
        pltpu.VMEM((BPW,), jnp.float32),
        pltpu.SemaphoreType.DMA,
    ],
)
def _bpr_sc(ui_hbm, pi_hbm, ni_hbm, user_hbm, item_hbm, out_hbm,
            ui_v, pi_v, ni_v, u_v, p_v, n_v, o_v, sem):
    wid = lax.axis_index("s") * NC + lax.axis_index("c")
    base = wid * BPW

    pltpu.sync_copy(ui_hbm.at[pl.ds(base, BPW)], ui_v)
    pltpu.sync_copy(pi_hbm.at[pl.ds(base, BPW)], pi_v)
    pltpu.sync_copy(ni_hbm.at[pl.ds(base, BPW)], ni_v)

    copies = []
    for c in range(NCH):
        sl = pl.ds(c * CHUNK, CHUNK)
        copies.append(pltpu.async_copy(user_hbm.at[ui_v.at[sl]], u_v.at[sl], sem))
        copies.append(pltpu.async_copy(item_hbm.at[pi_v.at[sl]], p_v.at[sl], sem))
        copies.append(pltpu.async_copy(item_hbm.at[ni_v.at[sl]], n_v.at[sl], sem))
    for cp in copies:
        cp.wait()

    lane = lax.iota(jnp.int32, 16)
    perms = [lane ^ s for s in (8, 4, 2, 1)]

    def group(g, carry):
        gbase = g * 16
        scores = jnp.zeros((16,), jnp.float32)
        for j in range(16):
            i = gbase + j
            u0 = u_v[i, pl.ds(0, 16)]
            u1 = u_v[i, pl.ds(16, 16)]
            p0 = p_v[i, pl.ds(0, 16)]
            p1 = p_v[i, pl.ds(16, 16)]
            n0 = n_v[i, pl.ds(0, 16)]
            n1 = n_v[i, pl.ds(16, 16)]
            acc = u0 * (p0 - n0) + u1 * (p1 - n1)
            for perm in perms:
                acc = acc + _shuffle(acc, perm)
            scores = jnp.where(lane == j, acc, scores)
        o_v[pl.ds(gbase, 16)] = scores
        return carry

    lax.fori_loop(0, BPW // 16, group, 0)

    pltpu.sync_copy(o_v, out_hbm.at[pl.ds(base, BPW)])


def kernel(x, user_emb, item_emb):
    xi = x.astype(jnp.int32)
    return _bpr_sc(xi[:, 0], xi[:, 1], xi[:, 2], user_emb, item_emb)

# --- scband reference (transcript-rebuilt; emitter-appended) ---
"""Pipeline reference for scband-mfbpr-13666585936025 (READ-ONLY COPY).

The authoritative reference and input builder live on the scoring server;
editing this copy changes nothing except your own understanding.
"""

import jax, jax.numpy as jnp
import numpy as np

USER_NUM = 1000000
ITEM_NUM = 1000000
N_FACTOR = 32
BATCH = 16384

def setup_inputs(seed: int = 0) -> dict:
    key = jax.random.key(seed)
    k1, k2, k3 = jax.random.split(key, 3)
    x = jax.random.randint(k1, (BATCH, 3), 0, min(USER_NUM, ITEM_NUM), dtype=jnp.int64) if jax.config.jax_enable_x64 else jax.random.randint(k1, (BATCH, 3), 0, min(USER_NUM, ITEM_NUM), dtype=jnp.int32)
    user_emb = jax.random.normal(k2, (USER_NUM, N_FACTOR), dtype=jnp.float32)
    item_emb = jax.random.normal(k3, (ITEM_NUM, N_FACTOR), dtype=jnp.float32)
    return {"x": x, "user_emb": user_emb, "item_emb": item_emb}

def reference(x, user_emb, item_emb):
    u = jnp.take(user_emb, x[:, 0], axis=0)
    pos = jnp.take(item_emb, x[:, 1], axis=0)
    neg = jnp.take(item_emb, x[:, 2], axis=0)
    return (u * (pos - neg)).sum(axis=1)

if __name__ == "__main__":
    import jax
    _d = setup_inputs()
    print(jax.jit(kernel)(*tuple(_d.values())))

</pallas_src>

<mosaic_0001>
#map = affine_map<(d0, d1) -> (0)>
#map1 = affine_map<(d0, d1) -> (0, 0)>
module attributes {stable_mosaic.version = 14 : i64} {
  func.func @_bpr_sc(%arg0: i32, %arg1: i32, %arg2: memref<16384xi32, #tpu.memory_space<hbm>>, %arg3: memref<16384xi32, #tpu.memory_space<hbm>>, %arg4: memref<16384xi32, #tpu.memory_space<hbm>>, %arg5: memref<1000000x32xf32, #tpu.memory_space<hbm>>, %arg6: memref<1000000x32xf32, #tpu.memory_space<hbm>>, %arg7: memref<16384xf32, #tpu.memory_space<hbm>>, %arg8: memref<512xi32, #tpu.memory_space<vmem>>, %arg9: memref<512xi32, #tpu.memory_space<vmem>>, %arg10: memref<512xi32, #tpu.memory_space<vmem>>, %arg11: memref<512x32xf32, #tpu.memory_space<vmem>>, %arg12: memref<512x32xf32, #tpu.memory_space<vmem>>, %arg13: memref<512x32xf32, #tpu.memory_space<vmem>>, %arg14: memref<512xf32, #tpu.memory_space<vmem>>, %arg15: memref<!tpu.dma_semaphore, #tpu.memory_space<semaphore_mem>>) attributes {dimension_semantics = [#tpu.dimension_semantics<core_parallel>, #tpu.dimension_semantics<subcore_parallel>], iteration_bounds = array<i64: 2, 16>, scalar_prefetch = 0 : i64, scratch_operands = 8 : i64, tpu.core_type = #tpu.core_type<sc_vector_subcore>, window_params = [{transform_indices = #map}, {transform_indices = #map}, {transform_indices = #map}, {transform_indices = #map1}, {transform_indices = #map1}, {transform_indices = #map}]} {
    %mul3A = arith.constant 2 : i32
    %mul3A_0 = arith.muli %arg1, %mul3A : i32
    %add3A = arith.addi %mul3A_0, %arg0 : i32
    %mul3A_1 = arith.constant 512 : i32
    %mul3A_2 = arith.muli %add3A, %mul3A_1 : i32
    "tpu.region"() ({
      %run_scoped3A = tpu.sem_alloc : memref<!tpu.dma_semaphore, #tpu.memory_space<semaphore_mem>>
      %dma_start3A_209 = tpu.memref_slice %arg2[%mul3A_2] : memref<16384xi32, #tpu.memory_space<hbm>> -> memref<512xi32, #tpu.memory_space<hbm>>
      %dma_start3A_210 = tpu.memref_slice %arg2[%mul3A_2] : memref<16384xi32, #tpu.memory_space<hbm>> -> memref<512xi32, #tpu.memory_space<hbm>>
      tpu.enqueue_dma source(%dma_start3A_210 : memref<512xi32, #tpu.memory_space<hbm>>) target(%arg8 : memref<512xi32, #tpu.memory_space<vmem>>) target_semaphore(%run_scoped3A : memref<!tpu.dma_semaphore, #tpu.memory_space<semaphore_mem>>)
      %dma_wait3A_211 = tpu.memref_slice %arg2[%mul3A_2] : memref<16384xi32, #tpu.memory_space<hbm>> -> memref<512xi32, #tpu.memory_space<hbm>>
      %dma_wait3A_212 = tpu.memref_slice %arg2[%mul3A_2] : memref<16384xi32, #tpu.memory_space<hbm>> -> memref<512xi32, #tpu.memory_space<hbm>>
      tpu.wait_dma2 semaphore(%run_scoped3A : memref<!tpu.dma_semaphore, #tpu.memory_space<semaphore_mem>>) src(%dma_wait3A_212 : memref<512xi32, #tpu.memory_space<hbm>>) dst(%arg8 : memref<512xi32, #tpu.memory_space<vmem>>)
      tpu.yield
    }) : () -> ()
    "tpu.region"() ({
      %run_scoped3A = tpu.sem_alloc : memref<!tpu.dma_semaphore, #tpu.memory_space<semaphore_mem>>
      %dma_start3A_209 = tpu.memref_slice %arg3[%mul3A_2] : memref<16384xi32, #tpu.memory_space<hbm>> -> memref<512xi32, #tpu.memory_space<hbm>>
      %dma_start3A_210 = tpu.memref_slice %arg3[%mul3A_2] : memref<16384xi32, #tpu.memory_space<hbm>> -> memref<512xi32, #tpu.memory_space<hbm>>
      tpu.enqueue_dma source(%dma_start3A_210 : memref<512xi32, #tpu.memory_space<hbm>>) target(%arg9 : memref<512xi32, #tpu.memory_space<vmem>>) target_semaphore(%run_scoped3A : memref<!tpu.dma_semaphore, #tpu.memory_space<semaphore_mem>>)
      %dma_wait3A_211 = tpu.memref_slice %arg3[%mul3A_2] : memref<16384xi32, #tpu.memory_space<hbm>> -> memref<512xi32, #tpu.memory_space<hbm>>
      %dma_wait3A_212 = tpu.memref_slice %arg3[%mul3A_2] : memref<16384xi32, #tpu.memory_space<hbm>> -> memref<512xi32, #tpu.memory_space<hbm>>
      tpu.wait_dma2 semaphore(%run_scoped3A : memref<!tpu.dma_semaphore, #tpu.memory_space<semaphore_mem>>) src(%dma_wait3A_212 : memref<512xi32, #tpu.memory_space<hbm>>) dst(%arg9 : memref<512xi32, #tpu.memory_space<vmem>>)
      tpu.yield
    }) : () -> ()
    "tpu.region"() ({
      %run_scoped3A = tpu.sem_alloc : memref<!tpu.dma_semaphore, #tpu.memory_space<semaphore_mem>>
      %dma_start3A_209 = tpu.memref_slice %arg4[%mul3A_2] : memref<16384xi32, #tpu.memory_space<hbm>> -> memref<512xi32, #tpu.memory_space<hbm>>
      %dma_start3A_210 = tpu.memref_slice %arg4[%mul3A_2] : memref<16384xi32, #tpu.memory_space<hbm>> -> memref<512xi32, #tpu.memory_space<hbm>>
      tpu.enqueue_dma source(%dma_start3A_210 : memref<512xi32, #tpu.memory_space<hbm>>) target(%arg10 : memref<512xi32, #tpu.memory_space<vmem>>) target_semaphore(%run_scoped3A : memref<!tpu.dma_semaphore, #tpu.memory_space<semaphore_mem>>)
      %dma_wait3A_211 = tpu.memref_slice %arg4[%mul3A_2] : memref<16384xi32, #tpu.memory_space<hbm>> -> memref<512xi32, #tpu.memory_space<hbm>>
      %dma_wait3A_212 = tpu.memref_slice %arg4[%mul3A_2] : memref<16384xi32, #tpu.memory_space<hbm>> -> memref<512xi32, #tpu.memory_space<hbm>>
      tpu.wait_dma2 semaphore(%run_scoped3A : memref<!tpu.dma_semaphore, #tpu.memory_space<semaphore_mem>>) src(%dma_wait3A_212 : memref<512xi32, #tpu.memory_space<hbm>>) dst(%arg10 : memref<512xi32, #tpu.memory_space<vmem>>)
      tpu.yield
    }) : () -> ()
    %dma_start3A = arith.constant 0 : i32
    %dma_start3A_3 = arith.constant 0 : i32
    %dma_start3A_4 = tpu.memref_slice %arg11[%dma_start3A, %dma_start3A_3] : memref<512x32xf32, #tpu.memory_space<vmem>> -> memref<128x32xf32, #tpu.memory_space<vmem>>
    %dma_start3A_5 = arith.constant 0 : i32
    %dma_start3A_6 = tpu.memref_slice %arg8[%dma_start3A_5] : memref<512xi32, #tpu.memory_space<vmem>> -> memref<128xi32, #tpu.memory_space<vmem>>
    %dma_start3A_7 = arith.constant 0 : i32
    %dma_start3A_8 = arith.constant 0 : i32
    %dma_start3A_9 = tpu.memref_slice %arg5[%dma_start3A_7, %dma_start3A_8] : memref<1000000x32xf32, #tpu.memory_space<hbm>> -> memref<1000000x32xf32, #tpu.memory_space<hbm>>
    tpu.enqueue_indirect_dma source(%dma_start3A_9 : memref<1000000x32xf32, #tpu.memory_space<hbm>>) target(%dma_start3A_4 : memref<128x32xf32, #tpu.memory_space<vmem>>) offsets(%dma_start3A_6 : memref<128xi32, #tpu.memory_space<vmem>>) semaphore(%arg15 : memref<!tpu.dma_semaphore, #tpu.memory_space<semaphore_mem>>)
    %dma_start3A_10 = arith.constant 0 : i32
    %dma_start3A_11 = arith.constant 0 : i32
    %dma_start3A_12 = tpu.memref_slice %arg12[%dma_start3A_10, %dma_start3A_11] : memref<512x32xf32, #tpu.memory_space<vmem>> -> memref<128x32xf32, #tpu.memory_space<vmem>>
    %dma_start3A_13 = arith.constant 0 : i32
    %dma_start3A_14 = tpu.memref_slice %arg9[%dma_start3A_13] : memref<512xi32, #tpu.memory_space<vmem>> -> memref<128xi32, #tpu.memory_space<vmem>>
    %dma_start3A_15 = arith.constant 0 : i32
    %dma_start3A_16 = arith.constant 0 : i32
    %dma_start3A_17 = tpu.memref_slice %arg6[%dma_start3A_15, %dma_start3A_16] : memref<1000000x32xf32, #tpu.memory_space<hbm>> -> memref<1000000x32xf32, #tpu.memory_space<hbm>>
    tpu.enqueue_indirect_dma source(%dma_start3A_17 : memref<1000000x32xf32, #tpu.memory_space<hbm>>) target(%dma_start3A_12 : memref<128x32xf32, #tpu.memory_space<vmem>>) offsets(%dma_start3A_14 : memref<128xi32, #tpu.memory_space<vmem>>) semaphore(%arg15 : memref<!tpu.dma_semaphore, #tpu.memory_space<semaphore_mem>>)
    %dma_start3A_18 = arith.constant 0 : i32
    %dma_start3A_19 = arith.constant 0 : i32
    %dma_start3A_20 = tpu.memref_slice %arg13[%dma_start3A_18, %dma_start3A_19] : memref<512x32xf32, #tpu.memory_space<vmem>> -> memref<128x32xf32, #tpu.memory_space<vmem>>
    %dma_start3A_21 = arith.constant 0 : i32
    %dma_start3A_22 = tpu.memref_slice %arg10[%dma_start3A_21] : memref<512xi32, #tpu.memory_space<vmem>> -> memref<128xi32, #tpu.memory_space<vmem>>
    %dma_start3A_23 = arith.constant 0 : i32
    %dma_start3A_24 = arith.constant 0 : i32
    %dma_start3A_25 = tpu.memref_slice %arg6[%dma_start3A_23, %dma_start3A_24] : memref<1000000x32xf32, #tpu.memory_space<hbm>> -> memref<1000000x32xf32, #tpu.memory_space<hbm>>
    tpu.enqueue_indirect_dma source(%dma_start3A_25 : memref<1000000x32xf32, #tpu.memory_space<hbm>>) target(%dma_start3A_20 : memref<128x32xf32, #tpu.memory_space<vmem>>) offsets(%dma_start3A_22 : memref<128xi32, #tpu.memory_space<vmem>>) semaphore(%arg15 : memref<!tpu.dma_semaphore, #tpu.memory_space<semaphore_mem>>)
    %dma_start3A_26 = arith.constant 128 : i32
    %dma_start3A_27 = arith.constant 0 : i32
    %dma_start3A_28 = tpu.memref_slice %arg11[%dma_start3A_26, %dma_start3A_27] : memref<512x32xf32, #tpu.memory_space<vmem>> -> memref<128x32xf32, #tpu.memory_space<vmem>>
    %dma_start3A_29 = arith.constant 128 : i32
    %dma_start3A_30 = tpu.memref_slice %arg8[%dma_start3A_29] : memref<512xi32, #tpu.memory_space<vmem>> -> memref<128xi32, #tpu.memory_space<vmem>>
    %dma_start3A_31 = arith.constant 0 : i32
    %dma_start3A_32 = arith.constant 0 : i32
    %dma_start3A_33 = tpu.memref_slice %arg5[%dma_start3A_31, %dma_start3A_32] : memref<1000000x32xf32, #tpu.memory_space<hbm>> -> memref<1000000x32xf32, #tpu.memory_space<hbm>>
    tpu.enqueue_indirect_dma source(%dma_start3A_33 : memref<1000000x32xf32, #tpu.memory_space<hbm>>) target(%dma_start3A_28 : memref<128x32xf32, #tpu.memory_space<vmem>>) offsets(%dma_start3A_30 : memref<128xi32, #tpu.memory_space<vmem>>) semaphore(%arg15 : memref<!tpu.dma_semaphore, #tpu.memory_space<semaphore_mem>>)
    %dma_start3A_34 = arith.constant 128 : i32
    %dma_start3A_35 = arith.constant 0 : i32
    %dma_start3A_36 = tpu.memref_slice %arg12[%dma_start3A_34, %dma_start3A_35] : memref<512x32xf32, #tpu.memory_space<vmem>> -> memref<128x32xf32, #tpu.memory_space<vmem>>
    %dma_start3A_37 = arith.constant 128 : i32
    %dma_start3A_38 = tpu.memref_slice %arg9[%dma_start3A_37] : memref<512xi32, #tpu.memory_space<vmem>> -> memref<128xi32, #tpu.memory_space<vmem>>
    %dma_start3A_39 = arith.constant 0 : i32
    %dma_start3A_40 = arith.constant 0 : i32
    %dma_start3A_41 = tpu.memref_slice %arg6[%dma_start3A_39, %dma_start3A_40] : memref<1000000x32xf32, #tpu.memory_space<hbm>> -> memref<1000000x32xf32, #tpu.memory_space<hbm>>
    tpu.enqueue_indirect_dma source(%dma_start3A_41 : memref<1000000x32xf32, #tpu.memory_space<hbm>>) target(%dma_start3A_36 : memref<128x32xf32, #tpu.memory_space<vmem>>) offsets(%dma_start3A_38 : memref<128xi32, #tpu.memory_space<vmem>>) semaphore(%arg15 : memref<!tpu.dma_semaphore, #tpu.memory_space<semaphore_mem>>)
    %dma_start3A_42 = arith.constant 128 : i32
    %dma_start3A_43 = arith.constant 0 : i32
    %dma_start3A_44 = tpu.memref_slice %arg13[%dma_start3A_42, %dma_start3A_43] : memref<512x32xf32, #tpu.memory_space<vmem>> -> memref<128x32xf32, #tpu.memory_space<vmem>>
    %dma_start3A_45 = arith.constant 128 : i32
    %dma_start3A_46 = tpu.memref_slice %arg10[%dma_start3A_45] : memref<512xi32, #tpu.memory_space<vmem>> -> memref<128xi32, #tpu.memory_space<vmem>>
    %dma_start3A_47 = arith.constant 0 : i32
    %dma_start3A_48 = arith.constant 0 : i32
    %dma_start3A_49 = tpu.memref_slice %arg6[%dma_start3A_47, %dma_start3A_48] : memref<1000000x32xf32, #tpu.memory_space<hbm>> -> memref<1000000x32xf32, #tpu.memory_space<hbm>>
    tpu.enqueue_indirect_dma source(%dma_start3A_49 : memref<1000000x32xf32, #tpu.memory_space<hbm>>) target(%dma_start3A_44 : memref<128x32xf32, #tpu.memory_space<vmem>>) offsets(%dma_start3A_46 : memref<128xi32, #tpu.memory_space<vmem>>) semaphore(%arg15 : memref<!tpu.dma_semaphore, #tpu.memory_space<semaphore_mem>>)
    %dma_start3A_50 = arith.constant 256 : i32
    %dma_start3A_51 = arith.constant 0 : i32
    %dma_start3A_52 = tpu.memref_slice %arg11[%dma_start3A_50, %dma_start3A_51] : memref<512x32xf32, #tpu.memory_space<vmem>> -> memref<128x32xf32, #tpu.memory_space<vmem>>
    %dma_start3A_53 = arith.constant 256 : i32
    %dma_start3A_54 = tpu.memref_slice %arg8[%dma_start3A_53] : memref<512xi32, #tpu.memory_space<vmem>> -> memref<128xi32, #tpu.memory_space<vmem>>
    %dma_start3A_55 = arith.constant 0 : i32
    %dma_start3A_56 = arith.constant 0 : i32
    %dma_start3A_57 = tpu.memref_slice %arg5[%dma_start3A_55, %dma_start3A_56] : memref<1000000x32xf32, #tpu.memory_space<hbm>> -> memref<1000000x32xf32, #tpu.memory_space<hbm>>
    tpu.enqueue_indirect_dma source(%dma_start3A_57 : memref<1000000x32xf32, #tpu.memory_space<hbm>>) target(%dma_start3A_52 : memref<128x32xf32, #tpu.memory_space<vmem>>) offsets(%dma_start3A_54 : memref<128xi32, #tpu.memory_space<vmem>>) semaphore(%arg15 : memref<!tpu.dma_semaphore, #tpu.memory_space<semaphore_mem>>)
    %dma_start3A_58 = arith.constant 256 : i32
    %dma_start3A_59 = arith.constant 0 : i32
    %dma_start3A_60 = tpu.memref_slice %arg12[%dma_start3A_58, %dma_start3A_59] : memref<512x32xf32, #tpu.memory_space<vmem>> -> memref<128x32xf32, #tpu.memory_space<vmem>>
    %dma_start3A_61 = arith.constant 256 : i32
    %dma_start3A_62 = tpu.memref_slice %arg9[%dma_start3A_61] : memref<512xi32, #tpu.memory_space<vmem>> -> memref<128xi32, #tpu.memory_space<vmem>>
    %dma_start3A_63 = arith.constant 0 : i32
    %dma_start3A_64 = arith.constant 0 : i32
    %dma_start3A_65 = tpu.memref_slice %arg6[%dma_start3A_63, %dma_start3A_64] : memref<1000000x32xf32, #tpu.memory_space<hbm>> -> memref<1000000x32xf32, #tpu.memory_space<hbm>>
    tpu.enqueue_indirect_dma source(%dma_start3A_65 : memref<1000000x32xf32, #tpu.memory_space<hbm>>) target(%dma_start3A_60 : memref<128x32xf32, #tpu.memory_space<vmem>>) offsets(%dma_start3A_62 : memref<128xi32, #tpu.memory_space<vmem>>) semaphore(%arg15 : memref<!tpu.dma_semaphore, #tpu.memory_space<semaphore_mem>>)
    %dma_start3A_66 = arith.constant 256 : i32
    %dma_start3A_67 = arith.constant 0 : i32
    %dma_start3A_68 = tpu.memref_slice %arg13[%dma_start3A_66, %dma_start3A_67] : memref<512x32xf32, #tpu.memory_space<vmem>> -> memref<128x32xf32, #tpu.memory_space<vmem>>
    %dma_start3A_69 = arith.constant 256 : i32
    %dma_start3A_70 = tpu.memref_slice %arg10[%dma_start3A_69] : memref<512xi32, #tpu.memory_space<vmem>> -> memref<128xi32, #tpu.memory_space<vmem>>
    %dma_start3A_71 = arith.constant 0 : i32
    %dma_start3A_72 = arith.constant 0 : i32
    %dma_start3A_73 = tpu.memref_slice %arg6[%dma_start3A_71, %dma_start3A_72] : memref<1000000x32xf32, #tpu.memory_space<hbm>> -> memref<1000000x32xf32, #tpu.memory_space<hbm>>
    tpu.enqueue_indirect_dma source(%dma_start3A_73 : memref<1000000x32xf32, #tpu.memory_space<hbm>>) target(%dma_start3A_68 : memref<128x32xf32, #tpu.memory_space<vmem>>) offsets(%dma_start3A_70 : memref<128xi32, #tpu.memory_space<vmem>>) semaphore(%arg15 : memref<!tpu.dma_semaphore, #tpu.memory_space<semaphore_mem>>)
    %dma_start3A_74 = arith.constant 384 : i32
    %dma_start3A_75 = arith.constant 0 : i32
    %dma_start3A_76 = tpu.memref_slice %arg11[%dma_start3A_74, %dma_start3A_75] : memref<512x32xf32, #tpu.memory_space<vmem>> -> memref<128x32xf32, #tpu.memory_space<vmem>>
    %dma_start3A_77 = arith.constant 384 : i32
    %dma_start3A_78 = tpu.memref_slice %arg8[%dma_start3A_77] : memref<512xi32, #tpu.memory_space<vmem>> -> memref<128xi32, #tpu.memory_space<vmem>>
    %dma_start3A_79 = arith.constant 0 : i32
    %dma_start3A_80 = arith.constant 0 : i32
    %dma_start3A_81 = tpu.memref_slice %arg5[%dma_start3A_79, %dma_start3A_80] : memref<1000000x32xf32, #tpu.memory_space<hbm>> -> memref<1000000x32xf32, #tpu.memory_space<hbm>>
    tpu.enqueue_indirect_dma source(%dma_start3A_81 : memref<1000000x32xf32, #tpu.memory_space<hbm>>) target(%dma_start3A_76 : memref<128x32xf32, #tpu.memory_space<vmem>>) offsets(%dma_start3A_78 : memref<128xi32, #tpu.memory_space<vmem>>) semaphore(%arg15 : memref<!tpu.dma_semaphore, #tpu.memory_space<semaphore_mem>>)
    %dma_start3A_82 = arith.constant 384 : i32
    %dma_start3A_83 = arith.constant 0 : i32
    %dma_start3A_84 = tpu.memref_slice %arg12[%dma_start3A_82, %dma_start3A_83] : memref<512x32xf32, #tpu.memory_space<vmem>> -> memref<128x32xf32, #tpu.memory_space<vmem>>
    %dma_start3A_85 = arith.constant 384 : i32
    %dma_start3A_86 = tpu.memref_slice %arg9[%dma_start3A_85] : memref<512xi32, #tpu.memory_space<vmem>> -> memref<128xi32, #tpu.memory_space<vmem>>
    %dma_start3A_87 = arith.constant 0 : i32
    %dma_start3A_88 = arith.constant 0 : i32
    %dma_start3A_89 = tpu.memref_slice %arg6[%dma_start3A_87, %dma_start3A_88] : memref<1000000x32xf32, #tpu.memory_space<hbm>> -> memref<1000000x32xf32, #tpu.memory_space<hbm>>
    tpu.enqueue_indirect_dma source(%dma_start3A_89 : memref<1000000x32xf32, #tpu.memory_space<hbm>>) target(%dma_start3A_84 : memref<128x32xf32, #tpu.memory_space<vmem>>) offsets(%dma_start3A_86 : memref<128xi32, #tpu.memory_space<vmem>>) semaphore(%arg15 : memref<!tpu.dma_semaphore, #tpu.memory_space<semaphore_mem>>)
    %dma_start3A_90 = arith.constant 384 : i32
    %dma_start3A_91 = arith.constant 0 : i32
    %dma_start3A_92 = tpu.memref_slice %arg13[%dma_start3A_90, %dma_start3A_91] : memref<512x32xf32, #tpu.memory_space<vmem>> -> memref<128x32xf32, #tpu.memory_space<vmem>>
    %dma_start3A_93 = arith.constant 384 : i32
    %dma_start3A_94 = tpu.memref_slice %arg10[%dma_start3A_93] : memref<512xi32, #tpu.memory_space<vmem>> -> memref<128xi32, #tpu.memory_space<vmem>>
    %dma_start3A_95 = arith.constant 0 : i32
    %dma_start3A_96 = arith.constant 0 : i32
    %dma_start3A_97 = tpu.memref_slice %arg6[%dma_start3A_95, %dma_start3A_96] : memref<1000000x32xf32, #tpu.memory_space<hbm>> -> memref<1000000x32xf32, #tpu.memory_space<hbm>>
    tpu.enqueue_indirect_dma source(%dma_start3A_97 : memref<1000000x32xf32, #tpu.memory_space<hbm>>) target(%dma_start3A_92 : memref<128x32xf32, #tpu.memory_space<vmem>>) offsets(%dma_start3A_94 : memref<128xi32, #tpu.memory_space<vmem>>) semaphore(%arg15 : memref<!tpu.dma_semaphore, #tpu.memory_space<semaphore_mem>>)
    %dma_wait3A = arith.constant 0 : i32
    %dma_wait3A_98 = arith.constant 0 : i32
    %dma_wait3A_99 = tpu.memref_slice %arg11[%dma_wait3A, %dma_wait3A_98] : memref<512x32xf32, #tpu.memory_space<vmem>> -> memref<128x32xf32, #tpu.memory_space<vmem>>
    %dma_wait3A_100 = arith.constant 0 : i32
    %dma_wait3A_101 = tpu.memref_slice %arg8[%dma_wait3A_100] : memref<512xi32, #tpu.memory_space<vmem>> -> memref<128xi32, #tpu.memory_space<vmem>>
    %dma_wait3A_102 = arith.constant 0 : i32
    %dma_wait3A_103 = arith.constant 0 : i32
    %dma_wait3A_104 = tpu.memref_slice %arg5[%dma_wait3A_102, %dma_wait3A_103] : memref<1000000x32xf32, #tpu.memory_space<hbm>> -> memref<1000000x32xf32, #tpu.memory_space<hbm>>
    tpu.wait_indirect_dma semaphore(%arg15 : memref<!tpu.dma_semaphore, #tpu.memory_space<semaphore_mem>>) src(%dma_wait3A_104 : memref<1000000x32xf32, #tpu.memory_space<hbm>>) dst(%dma_wait3A_99 : memref<128x32xf32, #tpu.memory_space<vmem>>)
    %dma_wait3A_105 = arith.constant 0 : i32
    %dma_wait3A_106 = arith.constant 0 : i32
    %dma_wait3A_107 = tpu.memref_slice %arg12[%dma_wait3A_105, %dma_wait3A_106] : memref<512x32xf32, #tpu.memory_space<vmem>> -> memref<128x32xf32, #tpu.memory_space<vmem>>
    %dma_wait3A_108 = arith.constant 0 : i32
    %dma_wait3A_109 = tpu.memref_slice %arg9[%dma_wait3A_108] : memref<512xi32, #tpu.memory_space<vmem>> -> memref<128xi32, #tpu.memory_space<vmem>>
    %dma_wait3A_110 = arith.constant 0 : i32
    %dma_wait3A_111 = arith.constant 0 : i32
    %dma_wait3A_112 = tpu.memref_slice %arg6[%dma_wait3A_110, %dma_wait3A_111] : memref<1000000x32xf32, #tpu.memory_space<hbm>> -> memref<1000000x32xf32, #tpu.memory_space<hbm>>
    tpu.wait_indirect_dma semaphore(%arg15 : memref<!tpu.dma_semaphore, #tpu.memory_space<semaphore_mem>>) src(%dma_wait3A_112 : memref<1000000x32xf32, #tpu.memory_space<hbm>>) dst(%dma_wait3A_107 : memref<128x32xf32, #tpu.memory_space<vmem>>)
    %dma_wait3A_113 = arith.constant 0 : i32
    %dma_wait3A_114 = arith.constant 0 : i32
    %dma_wait3A_115 = tpu.memref_slice %arg13[%dma_wait3A_113, %dma_wait3A_114] : memref<512x32xf32, #tpu.memory_space<vmem>> -> memref<128x32xf32, #tpu.memory_space<vmem>>
    %dma_wait3A_116 = arith.constant 0 : i32
    %dma_wait3A_117 = tpu.memref_slice %arg10[%dma_wait3A_116] : memref<512xi32, #tpu.memory_space<vmem>> -> memref<128xi32, #tpu.memory_space<vmem>>
    %dma_wait3A_118 = arith.constant 0 : i32
    %dma_wait3A_119 = arith.constant 0 : i32
    %dma_wait3A_120 = tpu.memref_slice %arg6[%dma_wait3A_118, %dma_wait3A_119] : memref<1000000x32xf32, #tpu.memory_space<hbm>> -> memref<1000000x32xf32, #tpu.memory_space<hbm>>
    tpu.wait_indirect_dma semaphore(%arg15 : memref<!tpu.dma_semaphore, #tpu.memory_space<semaphore_mem>>) src(%dma_wait3A_120 : memref<1000000x32xf32, #tpu.memory_space<hbm>>) dst(%dma_wait3A_115 : memref<128x32xf32, #tpu.memory_space<vmem>>)
    %dma_wait3A_121 = arith.constant 128 : i32
    %dma_wait3A_122 = arith.constant 0 : i32
    %dma_wait3A_123 = tpu.memref_slice %arg11[%dma_wait3A_121, %dma_wait3A_122] : memref<512x32xf32, #tpu.memory_space<vmem>> -> memref<128x32xf32, #tpu.memory_space<vmem>>
    %dma_wait3A_124 = arith.constant 128 : i32
    %dma_wait3A_125 = tpu.memref_slice %arg8[%dma_wait3A_124] : memref<512xi32, #tpu.memory_space<vmem>> -> memref<128xi32, #tpu.memory_space<vmem>>
    %dma_wait3A_126 = arith.constant 0 : i32
    %dma_wait3A_127 = arith.constant 0 : i32
    %dma_wait3A_128 = tpu.memref_slice %arg5[%dma_wait3A_126, %dma_wait3A_127] : memref<1000000x32xf32, #tpu.memory_space<hbm>> -> memref<1000000x32xf32, #tpu.memory_space<hbm>>
    tpu.wait_indirect_dma semaphore(%arg15 : memref<!tpu.dma_semaphore, #tpu.memory_space<semaphore_mem>>) src(%dma_wait3A_128 : memref<1000000x32xf32, #tpu.memory_space<hbm>>) dst(%dma_wait3A_123 : memref<128x32xf32, #tpu.memory_space<vmem>>)
    %dma_wait3A_129 = arith.constant 128 : i32
    %dma_wait3A_130 = arith.constant 0 : i32
    %dma_wait3A_131 = tpu.memref_slice %arg12[%dma_wait3A_129, %dma_wait3A_130] : memref<512x32xf32, #tpu.memory_space<vmem>> -> memref<128x32xf32, #tpu.memory_space<vmem>>
    %dma_wait3A_132 = arith.constant 128 : i32
    %dma_wait3A_133 = tpu.memref_slice %arg9[%dma_wait3A_132] : memref<512xi32, #tpu.memory_space<vmem>> -> memref<128xi32, #tpu.memory_space<vmem>>
    %dma_wait3A_134 = arith.constant 0 : i32
    %dma_wait3A_135 = arith.constant 0 : i32
    %dma_wait3A_136 = tpu.memref_slice %arg6[%dma_wait3A_134, %dma_wait3A_135] : memref<1000000x32xf32, #tpu.memory_space<hbm>> -> memref<1000000x32xf32, #tpu.memory_space<hbm>>
    tpu.wait_indirect_dma semaphore(%arg15 : memref<!tpu.dma_semaphore, #tpu.memory_space<semaphore_mem>>) src(%dma_wait3A_136 : memref<1000000x32xf32, #tpu.memory_space<hbm>>) dst(%dma_wait3A_131 : memref<128x32xf32, #tpu.memory_space<vmem>>)
    %dma_wait3A_137 = arith.constant 128 : i32
    %dma_wait3A_138 = arith.constant 0 : i32
    %dma_wait3A_139 = tpu.memref_slice %arg13[%dma_wait3A_137, %dma_wait3A_138] : memref<512x32xf32, #tpu.memory_space<vmem>> -> memref<128x32xf32, #tpu.memory_space<vmem>>
    %dma_wait3A_140 = arith.constant 128 : i32
    %dma_wait3A_141 = tpu.memref_slice %arg10[%dma_wait3A_140] : memref<512xi32, #tpu.memory_space<vmem>> -> memref<128xi32, #tpu.memory_space<vmem>>
    %dma_wait3A_142 = arith.constant 0 : i32
    %dma_wait3A_143 = arith.constant 0 : i32
    %dma_wait3A_144 = tpu.memref_slice %arg6[%dma_wait3A_142, %dma_wait3A_143] : memref<1000000x32xf32, #tpu.memory_space<hbm>> -> memref<1000000x32xf32, #tpu.memory_space<hbm>>
    tpu.wait_indirect_dma semaphore(%arg15 : memref<!tpu.dma_semaphore, #tpu.memory_space<semaphore_mem>>) src(%dma_wait3A_144 : memref<1000000x32xf32, #tpu.memory_space<hbm>>) dst(%dma_wait3A_139 : memref<128x32xf32, #tpu.memory_space<vmem>>)
    %dma_wait3A_145 = arith.constant 256 : i32
    %dma_wait3A_146 = arith.constant 0 : i32
    %dma_wait3A_147 = tpu.memref_slice %arg11[%dma_wait3A_145, %dma_wait3A_146] : memref<512x32xf32, #tpu.memory_space<vmem>> -> memref<128x32xf32, #tpu.memory_space<vmem>>
    %dma_wait3A_148 = arith.constant 256 : i32
    %dma_wait3A_149 = tpu.memref_slice %arg8[%dma_wait3A_148] : memref<512xi32, #tpu.memory_space<vmem>> -> memref<128xi32, #tpu.memory_space<vmem>>
    %dma_wait3A_150 = arith.constant 0 : i32
    %dma_wait3A_151 = arith.constant 0 : i32
    %dma_wait3A_152 = tpu.memref_slice %arg5[%dma_wait3A_150, %dma_wait3A_151] : memref<1000000x32xf32, #tpu.memory_space<hbm>> -> memref<1000000x32xf32, #tpu.memory_space<hbm>>
    tpu.wait_indirect_dma semaphore(%arg15 : memref<!tpu.dma_semaphore, #tpu.memory_space<semaphore_mem>>) src(%dma_wait3A_152 : memref<1000000x32xf32, #tpu.memory_space<hbm>>) dst(%dma_wait3A_147 : memref<128x32xf32, #tpu.memory_space<vmem>>)
    %dma_wait3A_153 = arith.constant 256 : i32
    %dma_wait3A_154 = arith.constant 0 : i32
    %dma_wait3A_155 = tpu.memref_slice %arg12[%dma_wait3A_153, %dma_wait3A_154] : memref<512x32xf32, #tpu.memory_space<vmem>> -> memref<128x32xf32, #tpu.memory_space<vmem>>
    %dma_wait3A_156 = arith.constant 256 : i32
    %dma_wait3A_157 = tpu.memref_slice %arg9[%dma_wait3A_156] : memref<512xi32, #tpu.memory_space<vmem>> -> memref<128xi32, #tpu.memory_space<vmem>>
    %dma_wait3A_158 = arith.constant 0 : i32
    %dma_wait3A_159 = arith.constant 0 : i32
    %dma_wait3A_160 = tpu.memref_slice %arg6[%dma_wait3A_158, %dma_wait3A_159] : memref<1000000x32xf32, #tpu.memory_space<hbm>> -> memref<1000000x32xf32, #tpu.memory_space<hbm>>
    tpu.wait_indirect_dma semaphore(%arg15 : memref<!tpu.dma_semaphore, #tpu.memory_space<semaphore_mem>>) src(%dma_wait3A_160 : memref<1000000x32xf32, #tpu.memory_space<hbm>>) dst(%dma_wait3A_155 : memref<128x32xf32, #tpu.memory_space<vmem>>)
    %dma_wait3A_161 = arith.constant 256 : i32
    %dma_wait3A_162 = arith.constant 0 : i32
    %dma_wait3A_163 = tpu.memref_slice %arg13[%dma_wait3A_161, %dma_wait3A_162] : memref<512x32xf32, #tpu.memory_space<vmem>> -> memref<128x32xf32, #tpu.memory_space<vmem>>
    %dma_wait3A_164 = arith.constant 256 : i32
    %dma_wait3A_165 = tpu.memref_slice %arg10[%dma_wait3A_164] : memref<512xi32, #tpu.memory_space<vmem>> -> memref<128xi32, #tpu.memory_space<vmem>>
    %dma_wait3A_166 = arith.constant 0 : i32
    %dma_wait3A_167 = arith.constant 0 : i32
    %dma_wait3A_168 = tpu.memref_slice %arg6[%dma_wait3A_166, %dma_wait3A_167] : memref<1000000x32xf32, #tpu.memory_space<hbm>> -> memref<1000000x32xf32, #tpu.memory_space<hbm>>
    tpu.wait_indirect_dma semaphore(%arg15 : memref<!tpu.dma_semaphore, #tpu.memory_space<semaphore_mem>>) src(%dma_wait3A_168 : memref<1000000x32xf32, #tpu.memory_space<hbm>>) dst(%dma_wait3A_163 : memref<128x32xf32, #tpu.memory_space<vmem>>)
    %dma_wait3A_169 = arith.constant 384 : i32
    %dma_wait3A_170 = arith.constant 0 : i32
    %dma_wait3A_171 = tpu.memref_slice %arg11[%dma_wait3A_169, %dma_wait3A_170] : memref<512x32xf32, #tpu.memory_space<vmem>> -> memref<128x32xf32, #tpu.memory_space<vmem>>
    %dma_wait3A_172 = arith.constant 384 : i32
    %dma_wait3A_173 = tpu.memref_slice %arg8[%dma_wait3A_172] : memref<512xi32, #tpu.memory_space<vmem>> -> memref<128xi32, #tpu.memory_space<vmem>>
    %dma_wait3A_174 = arith.constant 0 : i32
    %dma_wait3A_175 = arith.constant 0 : i32
    %dma_wait3A_176 = tpu.memref_slice %arg5[%dma_wait3A_174, %dma_wait3A_175] : memref<1000000x32xf32, #tpu.memory_space<hbm>> -> memref<1000000x32xf32, #tpu.memory_space<hbm>>
    tpu.wait_indirect_dma semaphore(%arg15 : memref<!tpu.dma_semaphore, #tpu.memory_space<semaphore_mem>>) src(%dma_wait3A_176 : memref<1000000x32xf32, #tpu.memory_space<hbm>>) dst(%dma_wait3A_171 : memref<128x32xf32, #tpu.memory_space<vmem>>)
    %dma_wait3A_177 = arith.constant 384 : i32
    %dma_wait3A_178 = arith.constant 0 : i32
    %dma_wait3A_179 = tpu.memref_slice %arg12[%dma_wait3A_177, %dma_wait3A_178] : memref<512x32xf32, #tpu.memory_space<vmem>> -> memref<128x32xf32, #tpu.memory_space<vmem>>
    %dma_wait3A_180 = arith.constant 384 : i32
    %dma_wait3A_181 = tpu.memref_slice %arg9[%dma_wait3A_180] : memref<512xi32, #tpu.memory_space<vmem>> -> memref<128xi32, #tpu.memory_space<vmem>>
    %dma_wait3A_182 = arith.constant 0 : i32
    %dma_wait3A_183 = arith.constant 0 : i32
    %dma_wait3A_184 = tpu.memref_slice %arg6[%dma_wait3A_182, %dma_wait3A_183] : memref<1000000x32xf32, #tpu.memory_space<hbm>> -> memref<1000000x32xf32, #tpu.memory_space<hbm>>
    tpu.wait_indirect_dma semaphore(%arg15 : memref<!tpu.dma_semaphore, #tpu.memory_space<semaphore_mem>>) src(%dma_wait3A_184 : memref<1000000x32xf32, #tpu.memory_space<hbm>>) dst(%dma_wait3A_179 : memref<128x32xf32, #tpu.memory_space<vmem>>)
    %dma_wait3A_185 = arith.constant 384 : i32
    %dma_wait3A_186 = arith.constant 0 : i32
    %dma_wait3A_187 = tpu.memref_slice %arg13[%dma_wait3A_185, %dma_wait3A_186] : memref<512x32xf32, #tpu.memory_space<vmem>> -> memref<128x32xf32, #tpu.memory_space<vmem>>
    %dma_wait3A_188 = arith.constant 384 : i32
    %dma_wait3A_189 = tpu.memref_slice %arg10[%dma_wait3A_188] : memref<512xi32, #tpu.memory_space<vmem>> -> memref<128xi32, #tpu.memory_space<vmem>>
    %dma_wait3A_190 = arith.constant 0 : i32
    %dma_wait3A_191 = arith.constant 0 : i32
    %dma_wait3A_192 = tpu.memref_slice %arg6[%dma_wait3A_190, %dma_wait3A_191] : memref<1000000x32xf32, #tpu.memory_space<hbm>> -> memref<1000000x32xf32, #tpu.memory_space<hbm>>
    tpu.wait_indirect_dma semaphore(%arg15 : memref<!tpu.dma_semaphore, #tpu.memory_space<semaphore_mem>>) src(%dma_wait3A_192 : memref<1000000x32xf32, #tpu.memory_space<hbm>>) dst(%dma_wait3A_187 : memref<128x32xf32, #tpu.memory_space<vmem>>)
    %iota3A = tpu.iota {dimensions = array<i32: 0>} : vector<16xi32>
    %xor3A = arith.constant 8 : i32
    %xor3A_193 = vector.broadcast %xor3A : i32 to vector<16xi32>
    %xor3A_194 = arith.xori %iota3A, %xor3A_193 : vector<16xi32>
    %xor3A_195 = arith.constant 4 : i32
    %xor3A_196 = vector.broadcast %xor3A_195 : i32 to vector<16xi32>
    %xor3A_197 = arith.xori %iota3A, %xor3A_196 : vector<16xi32>
    %xor3A_198 = arith.constant 2 : i32
    %xor3A_199 = vector.broadcast %xor3A_198 : i32 to vector<16xi32>
    %xor3A_200 = arith.xori %iota3A, %xor3A_199 : vector<16xi32>
    %xor3A_201 = arith.constant 1 : i32
    %xor3A_202 = vector.broadcast %xor3A_201 : i32 to vector<16xi32>
    %xor3A_203 = arith.xori %iota3A, %xor3A_202 : vector<16xi32>
    %scan3A = arith.constant 0 : i32
    %scan3A_204 = arith.constant 0 : i32
    %scan3A_205 = arith.constant 32 : i32
    %scan3A_206 = arith.addi %scan3A_204, %scan3A_205 : i32
    %scan3A_207 = arith.constant 1 : i32
    scf.for %scan3A_209 = %scan3A_204 to %scan3A_206 step %scan3A_207  : i32 {
      %mul3A_210 = arith.constant 16 : i32
      %mul3A_211 = arith.muli %scan3A_209, %mul3A_210 : i32
      %broadcast_in_dim3A = arith.constant 0.000000e+00 : f32
      %broadcast_in_dim3A_212 = vector.broadcast %broadcast_in_dim3A : f32 to vector<16xf32>
      %add3A_213 = arith.constant 0 : i32
      %add3A_214 = arith.addi %mul3A_211, %add3A_213 : i32
      %get3A = arith.index_cast %add3A_214 : i32 to index
      %get3A_215 = arith.constant 0 : index
      %get3A_216 = tpu.vector_load %arg11[%get3A, %get3A_215] {strides = array<i32>} : memref<512x32xf32, #tpu.memory_space<vmem>>, vector<16xf32>,
      %get3A_217 = arith.index_cast %add3A_214 : i32 to index
      %get3A_218 = arith.constant 16 : index
      %get3A_219 = tpu.vector_load %arg11[%get3A_217, %get3A_218] {strides = array<i32>} : memref<512x32xf32, #tpu.memory_space<vmem>>, vector<16xf32>,
      %get3A_220 = arith.index_cast %add3A_214 : i32 to index
      %get3A_221 = arith.constant 0 : index
      %get3A_222 = tpu.vector_load %arg12[%get3A_220, %get3A_221] {strides = array<i32>} : memref<512x32xf32, #tpu.memory_space<vmem>>, vector<16xf32>,
      %get3A_223 = arith.index_cast %add3A_214 : i32 to index
      %get3A_224 = arith.constant 16 : index
      %get3A_225 = tpu.vector_load %arg12[%get3A_223, %get3A_224] {strides = array<i32>} : memref<512x32xf32, #tpu.memory_space<vmem>>, vector<16xf32>,
      %get3A_226 = arith.index_cast %add3A_214 : i32 to index
      %get3A_227 = arith.constant 0 : index
      %get3A_228 = tpu.vector_load %arg13[%get3A_226, %get3A_227] {strides = array<i32>} : memref<512x32xf32, #tpu.memory_space<vmem>>, vector<16xf32>,
      %get3A_229 = arith.index_cast %add3A_214 : i32 to index
      %get3A_230 = arith.constant 16 : index
      %get3A_231 = tpu.vector_load %arg13[%get3A_229, %get3A_230] {strides = array<i32>} : memref<512x32xf32, #tpu.memory_space<vmem>>, vector<16xf32>,
      %sub3A = arith.subf %get3A_222, %get3A_228 : vector<16xf32>
      %mul3A_232 = arith.mulf %get3A_216, %sub3A : vector<16xf32>
      %sub3A_233 = arith.subf %get3A_225, %get3A_231 : vector<16xf32>
      %mul3A_234 = arith.mulf %get3A_219, %sub3A_233 : vector<16xf32>
      %add3A_235 = arith.addf %mul3A_232, %mul3A_234 : vector<16xf32>
      %broadcast_in_dim3A_236 = vector.shape_cast %xor3A_194 : vector<16xi32> to vector<16x1xi32>
      %gather3A = vector.shape_cast %broadcast_in_dim3A_236 : vector<16x1xi32> to vector<16xi32>
      %gather3A_237 = tpu.dynamic_gather %add3A_235[%gather3A] in [0] : vector<16xf32>, vector<16xi32> -> vector<16xf32>
      %add3A_238 = arith.addf %add3A_235, %gather3A_237 : vector<16xf32>
      %broadcast_in_dim3A_239 = vector.shape_cast %xor3A_197 : vector<16xi32> to vector<16x1xi32>
      %gather3A_240 = vector.shape_cast %broadcast_in_dim3A_239 : vector<16x1xi32> to vector<16xi32>
      %gather3A_241 = tpu.dynamic_gather %add3A_238[%gather3A_240] in [0] : vector<16xf32>, vector<16xi32> -> vector<16xf32>
      %add3A_242 = arith.addf %add3A_238, %gather3A_241 : vector<16xf32>
      %broadcast_in_dim3A_243 = vector.shape_cast %xor3A_200 : vector<16xi32> to vector<16x1xi32>
      %gather3A_244 = vector.shape_cast %broadcast_in_dim3A_243 : vector<16x1xi32> to vector<16xi32>
      %gather3A_245 = tpu.dynamic_gather %add3A_242[%gather3A_244] in [0] : vector<16xf32>, vector<16xi32> -> vector<16xf32>
      %add3A_246 = arith.addf %add3A_242, %gather3A_245 : vector<16xf32>
      %broadcast_in_dim3A_247 = vector.shape_cast %xor3A_203 : vector<16xi32> to vector<16x1xi32>
      %gather3A_248 = vector.shape_cast %broadcast_in_dim3A_247 : vector<16x1xi32> to vector<16xi32>
      %gather3A_249 = tpu.dynamic_gather %add3A_246[%gather3A_248] in [0] : vector<16xf32>, vector<16xi32> -> vector<16xf32>
      %add3A_250 = arith.addf %add3A_246, %gather3A_249 : vector<16xf32>
      %eq3A = arith.constant 0 : i32
      %eq3A_251 = vector.broadcast %eq3A : i32 to vector<16xi32>
      %eq3A_252 = arith.cmpi eq, %iota3A, %eq3A_251 : vector<16xi32>
      %select_n3A = arith.select %eq3A_252, %add3A_250, %broadcast_in_dim3A_212 : vector<16xi1>, vector<16xf32>
      %add3A_253 = arith.constant 1 : i32
      %add3A_254 = arith.addi %mul3A_211, %add3A_253 : i32
      %get3A_255 = arith.index_cast %add3A_254 : i32 to index
      %get3A_256 = arith.constant 0 : index
      %get3A_257 = tpu.vector_load %arg11[%get3A_255, %get3A_256] {strides = array<i32>} : memref<512x32xf32, #tpu.memory_space<vmem>>, vector<16xf32>,
      %get3A_258 = arith.index_cast %add3A_254 : i32 to index
      %get3A_259 = arith.constant 16 : index
      %get3A_260 = tpu.vector_load %arg11[%get3A_258, %get3A_259] {strides = array<i32>} : memref<512x32xf32, #tpu.memory_space<vmem>>, vector<16xf32>,
      %get3A_261 = arith.index_cast %add3A_254 : i32 to index
      %get3A_262 = arith.constant 0 : index
      %get3A_263 = tpu.vector_load %arg12[%get3A_261, %get3A_262] {strides = array<i32>} : memref<512x32xf32, #tpu.memory_space<vmem>>, vector<16xf32>,
      %get3A_264 = arith.index_cast %add3A_254 : i32 to index
      %get3A_265 = arith.constant 16 : index
      %get3A_266 = tpu.vector_load %arg12[%get3A_264, %get3A_265] {strides = array<i32>} : memref<512x32xf32, #tpu.memory_space<vmem>>, vector<16xf32>,
      %get3A_267 = arith.index_cast %add3A_254 : i32 to index
      %get3A_268 = arith.constant 0 : index
      %get3A_269 = tpu.vector_load %arg13[%get3A_267, %get3A_268] {strides = array<i32>} : memref<512x32xf32, #tpu.memory_space<vmem>>, vector<16xf32>,
      %get3A_270 = arith.index_cast %add3A_254 : i32 to index
      %get3A_271 = arith.constant 16 : index
      %get3A_272 = tpu.vector_load %arg13[%get3A_270, %get3A_271] {strides = array<i32>} : memref<512x32xf32, #tpu.memory_space<vmem>>, vector<16xf32>,
      %sub3A_273 = arith.subf %get3A_263, %get3A_269 : vector<16xf32>
      %mul3A_274 = arith.mulf %get3A_257, %sub3A_273 : vector<16xf32>
      %sub3A_275 = arith.subf %get3A_266, %get3A_272 : vector<16xf32>
      %mul3A_276 = arith.mulf %get3A_260, %sub3A_275 : vector<16xf32>
      %add3A_277 = arith.addf %mul3A_274, %mul3A_276 : vector<16xf32>
      %broadcast_in_dim3A_278 = vector.shape_cast %xor3A_194 : vector<16xi32> to vector<16x1xi32>
      %gather3A_279 = vector.shape_cast %broadcast_in_dim3A_278 : vector<16x1xi32> to vector<16xi32>
      %gather3A_280 = tpu.dynamic_gather %add3A_277[%gather3A_279] in [0] : vector<16xf32>, vector<16xi32> -> vector<16xf32>
      %add3A_281 = arith.addf %add3A_277, %gather3A_280 : vector<16xf32>
      %broadcast_in_dim3A_282 = vector.shape_cast %xor3A_197 : vector<16xi32> to vector<16x1xi32>
      %gather3A_283 = vector.shape_cast %broadcast_in_dim3A_282 : vector<16x1xi32> to vector<16xi32>
      %gather3A_284 = tpu.dynamic_gather %add3A_281[%gather3A_283] in [0] : vector<16xf32>, vector<16xi32> -> vector<16xf32>
      %add3A_285 = arith.addf %add3A_281, %gather3A_284 : vector<16xf32>
      %broadcast_in_dim3A_286 = vector.shape_cast %xor3A_200 : vector<16xi32> to vector<16x1xi32>
      %gather3A_287 = vector.shape_cast %broadcast_in_dim3A_286 : vector<16x1xi32> to vector<16xi32>
      %gather3A_288 = tpu.dynamic_gather %add3A_285[%gather3A_287] in [0] : vector<16xf32>, vector<16xi32> -> vector<16xf32>
      %add3A_289 = arith.addf %add3A_285, %gather3A_288 : vector<16xf32>
      %broadcast_in_dim3A_290 = vector.shape_cast %xor3A_203 : vector<16xi32> to vector<16x1xi32>
      %gather3A_291 = vector.shape_cast %broadcast_in_dim3A_290 : vector<16x1xi32> to vector<16xi32>
      %gather3A_292 = tpu.dynamic_gather %add3A_289[%gather3A_291] in [0] : vector<16xf32>, vector<16xi32> -> vector<16xf32>
      %add3A_293 = arith.addf %add3A_289, %gather3A_292 : vector<16xf32>
      %eq3A_294 = arith.constant 1 : i32
      %eq3A_295 = vector.broadcast %eq3A_294 : i32 to vector<16xi32>
      %eq3A_296 = arith.cmpi eq, %iota3A, %eq3A_295 : vector<16xi32>
      %select_n3A_297 = arith.select %eq3A_296, %add3A_293, %select_n3A : vector<16xi1>, vector<16xf32>
      %add3A_298 = arith.constant 2 : i32
      %add3A_299 = arith.addi %mul3A_211, %add3A_298 : i32
      %get3A_300 = arith.index_cast %add3A_299 : i32 to index
      %get3A_301 = arith.constant 0 : index
      %get3A_302 = tpu.vector_load %arg11[%get3A_300, %get3A_301] {strides = array<i32>} : memref<512x32xf32, #tpu.memory_space<vmem>>, vector<16xf32>,
      %get3A_303 = arith.index_cast %add3A_299 : i32 to index
      %get3A_304 = arith.constant 16 : index
      %get3A_305 = tpu.vector_load %arg11[%get3A_303, %get3A_304] {strides = array<i32>} : memref<512x32xf32, #tpu.memory_space<vmem>>, vector<16xf32>,
      %get3A_306 = arith.index_cast %add3A_299 : i32 to index
      %get3A_307 = arith.constant 0 : index
      %get3A_308 = tpu.vector_load %arg12[%get3A_306, %get3A_307] {strides = array<i32>} : memref<512x32xf32, #tpu.memory_space<vmem>>, vector<16xf32>,
      %get3A_309 = arith.index_cast %add3A_299 : i32 to index
      %get3A_310 = arith.constant 16 : index
      %get3A_311 = tpu.vector_load %arg12[%get3A_309, %get3A_310] {strides = array<i32>} : memref<512x32xf32, #tpu.memory_space<vmem>>, vector<16xf32>,
      %get3A_312 = arith.index_cast %add3A_299 : i32 to index
      %get3A_313 = arith.constant 0 : index
      %get3A_314 = tpu.vector_load %arg13[%get3A_312, %get3A_313] {strides = array<i32>} : memref<512x32xf32, #tpu.memory_space<vmem>>, vector<16xf32>,
      %get3A_315 = arith.index_cast %add3A_299 : i32 to index
      %get3A_316 = arith.constant 16 : index
      %get3A_317 = tpu.vector_load %arg13[%get3A_315, %get3A_316] {strides = array<i32>} : memref<512x32xf32, #tpu.memory_space<vmem>>, vector<16xf32>,
      %sub3A_318 = arith.subf %get3A_308, %get3A_314 : vector<16xf32>
      %mul3A_319 = arith.mulf %get3A_302, %sub3A_318 : vector<16xf32>
      %sub3A_320 = arith.subf %get3A_311, %get3A_317 : vector<16xf32>
      %mul3A_321 = arith.mulf %get3A_305, %sub3A_320 : vector<16xf32>
      %add3A_322 = arith.addf %mul3A_319, %mul3A_321 : vector<16xf32>
      %broadcast_in_dim3A_323 = vector.shape_cast %xor3A_194 : vector<16xi32> to vector<16x1xi32>
      %gather3A_324 = vector.shape_cast %broadcast_in_dim3A_323 : vector<16x1xi32> to vector<16xi32>
      %gather3A_325 = tpu.dynamic_gather %add3A_322[%gather3A_324] in [0] : vector<16xf32>, vector<16xi32> -> vector<16xf32>
      %add3A_326 = arith.addf %add3A_322, %gather3A_325 : vector<16xf32>
      %broadcast_in_dim3A_327 = vector.shape_cast %xor3A_197 : vector<16xi32> to vector<16x1xi32>
      %gather3A_328 = vector.shape_cast %broadcast_in_dim3A_327 : vector<16x1xi32> to vector<16xi32>
      %gather3A_329 = tpu.dynamic_gather %add3A_326[%gather3A_328] in [0] : vector<16xf32>, vector<16xi32> -> vector<16xf32>
      %add3A_330 = arith.addf %add3A_326, %gather3A_329 : vector<16xf32>
      %broadcast_in_dim3A_331 = vector.shape_cast %xor3A_200 : vector<16xi32> to vector<16x1xi32>
      %gather3A_332 = vector.shape_cast %broadcast_in_dim3A_331 : vector<16x1xi32> to vector<16xi32>
      %gather3A_333 = tpu.dynamic_gather %add3A_330[%gather3A_332] in [0] : vector<16xf32>, vector<16xi32> -> vector<16xf32>
      %add3A_334 = arith.addf %add3A_330, %gather3A_333 : vector<16xf32>
      %broadcast_in_dim3A_335 = vector.shape_cast %xor3A_203 : vector<16xi32> to vector<16x1xi32>
      %gather3A_336 = vector.shape_cast %broadcast_in_dim3A_335 : vector<16x1xi32> to vector<16xi32>
      %gather3A_337 = tpu.dynamic_gather %add3A_334[%gather3A_336] in [0] : vector<16xf32>, vector<16xi32> -> vector<16xf32>
      %add3A_338 = arith.addf %add3A_334, %gather3A_337 : vector<16xf32>
      %eq3A_339 = arith.constant 2 : i32
      %eq3A_340 = vector.broadcast %eq3A_339 : i32 to vector<16xi32>
      %eq3A_341 = arith.cmpi eq, %iota3A, %eq3A_340 : vector<16xi32>
      %select_n3A_342 = arith.select %eq3A_341, %add3A_338, %select_n3A_297 : vector<16xi1>, vector<16xf32>
      %add3A_343 = arith.constant 3 : i32
      %add3A_344 = arith.addi %mul3A_211, %add3A_343 : i32
      %get3A_345 = arith.index_cast %add3A_344 : i32 to index
      %get3A_346 = arith.constant 0 : index
      %get3A_347 = tpu.vector_load %arg11[%get3A_345, %get3A_346] {strides = array<i32>} : memref<512x32xf32, #tpu.memory_space<vmem>>, vector<16xf32>,
      %get3A_348 = arith.index_cast %add3A_344 : i32 to index
      %get3A_349 = arith.constant 16 : index
      %get3A_350 = tpu.vector_load %arg11[%get3A_348, %get3A_349] {strides = array<i32>} : memref<512x32xf32, #tpu.memory_space<vmem>>, vector<16xf32>,
      %get3A_351 = arith.index_cast %add3A_344 : i32 to index
      %get3A_352 = arith.constant 0 : index
      %get3A_353 = tpu.vector_load %arg12[%get3A_351, %get3A_352] {strides = array<i32>} : memref<512x32xf32, #tpu.memory_space<vmem>>, vector<16xf32>,
      %get3A_354 = arith.index_cast %add3A_344 : i32 to index
      %get3A_355 = arith.constant 16 : index
      %get3A_356 = tpu.vector_load %arg12[%get3A_354, %get3A_355] {strides = array<i32>} : memref<512x32xf32, #tpu.memory_space<vmem>>, vector<16xf32>,
      %get3A_357 = arith.index_cast %add3A_344 : i32 to index
      %get3A_358 = arith.constant 0 : index
      %get3A_359 = tpu.vector_load %arg13[%get3A_357, %get3A_358] {strides = array<i32>} : memref<512x32xf32, #tpu.memory_space<vmem>>, vector<16xf32>,
      %get3A_360 = arith.index_cast %add3A_344 : i32 to index
      %get3A_361 = arith.constant 16 : index
      %get3A_362 = tpu.vector_load %arg13[%get3A_360, %get3A_361] {strides = array<i32>} : memref<512x32xf32, #tpu.memory_space<vmem>>, vector<16xf32>,
      %sub3A_363 = arith.subf %get3A_353, %get3A_359 : vector<16xf32>
      %mul3A_364 = arith.mulf %get3A_347, %sub3A_363 : vector<16xf32>
      %sub3A_365 = arith.subf %get3A_356, %get3A_362 : vector<16xf32>
      %mul3A_366 = arith.mulf %get3A_350, %sub3A_365 : vector<16xf32>
      %add3A_367 = arith.addf %mul3A_364, %mul3A_366 : vector<16xf32>
      %broadcast_in_dim3A_368 = vector.shape_cast %xor3A_194 : vector<16xi32> to vector<16x1xi32>
      %gather3A_369 = vector.shape_cast %broadcast_in_dim3A_368 : vector<16x1xi32> to vector<16xi32>
      %gather3A_370 = tpu.dynamic_gather %add3A_367[%gather3A_369] in [0] : vector<16xf32>, vector<16xi32> -> vector<16xf32>
      %add3A_371 = arith.addf %add3A_367, %gather3A_370 : vector<16xf32>
      %broadcast_in_dim3A_372 = vector.shape_cast %xor3A_197 : vector<16xi32> to vector<16x1xi32>
      %gather3A_373 = vector.shape_cast %broadcast_in_dim3A_372 : vector<16x1xi32> to vector<16xi32>
      %gather3A_374 = tpu.dynamic_gather %add3A_371[%gather3A_373] in [0] : vector<16xf32>, vector<16xi32> -> vector<16xf32>
      %add3A_375 = arith.addf %add3A_371, %gather3A_374 : vector<16xf32>
      %broadcast_in_dim3A_376 = vector.shape_cast %xor3A_200 : vector<16xi32> to vector<16x1xi32>
      %gather3A_377 = vector.shape_cast %broadcast_in_dim3A_376 : vector<16x1xi32> to vector<16xi32>
      %gather3A_378 = tpu.dynamic_gather %add3A_375[%gather3A_377] in [0] : vector<16xf32>, vector<16xi32> -> vector<16xf32>
      %add3A_379 = arith.addf %add3A_375, %gather3A_378 : vector<16xf32>
      %broadcast_in_dim3A_380 = vector.shape_cast %xor3A_203 : vector<16xi32> to vector<16x1xi32>
      %gather3A_381 = vector.shape_cast %broadcast_in_dim3A_380 : vector<16x1xi32> to vector<16xi32>
      %gather3A_382 = tpu.dynamic_gather %add3A_379[%gather3A_381] in [0] : vector<16xf32>, vector<16xi32> -> vector<16xf32>
      %add3A_383 = arith.addf %add3A_379, %gather3A_382 : vector<16xf32>
      %eq3A_384 = arith.constant 3 : i32
      %eq3A_385 = vector.broadcast %eq3A_384 : i32 to vector<16xi32>
      %eq3A_386 = arith.cmpi eq, %iota3A, %eq3A_385 : vector<16xi32>
      %select_n3A_387 = arith.select %eq3A_386, %add3A_383, %select_n3A_342 : vector<16xi1>, vector<16xf32>
      %add3A_388 = arith.constant 4 : i32
      %add3A_389 = arith.addi %mul3A_211, %add3A_388 : i32
      %get3A_390 = arith.index_cast %add3A_389 : i32 to index
      %get3A_391 = arith.constant 0 : index
      %get3A_392 = tpu.vector_load %arg11[%get3A_390, %get3A_391] {strides = array<i32>} : memref<512x32xf32, #tpu.memory_space<vmem>>, vector<16xf32>,
      %get3A_393 = arith.index_cast %add3A_389 : i32 to index
      %get3A_394 = arith.constant 16 : index
      %get3A_395 = tpu.vector_load %arg11[%get3A_393, %get3A_394] {strides = array<i32>} : memref<512x32xf32, #tpu.memory_space<vmem>>, vector<16xf32>,
      %get3A_396 = arith.index_cast %add3A_389 : i32 to index
      %get3A_397 = arith.constant 0 : index
      %get3A_398 = tpu.vector_load %arg12[%get3A_396, %get3A_397] {strides = array<i32>} : memref<512x32xf32, #tpu.memory_space<vmem>>, vector<16xf32>,
      %get3A_399 = arith.index_cast %add3A_389 : i32 to index
      %get3A_400 = arith.constant 16 : index
      %get3A_401 = tpu.vector_load %arg12[%get3A_399, %get3A_400] {strides = array<i32>} : memref<512x32xf32, #tpu.memory_space<vmem>>, vector<16xf32>,
      %get3A_402 = arith.index_cast %add3A_389 : i32 to index
      %get3A_403 = arith.constant 0 : index
      %get3A_404 = tpu.vector_load %arg13[%get3A_402, %get3A_403] {strides = array<i32>} : memref<512x32xf32, #tpu.memory_space<vmem>>, vector<16xf32>,
      %get3A_405 = arith.index_cast %add3A_389 : i32 to index
      %get3A_406 = arith.constant 16 : index
      %get3A_407 = tpu.vector_load %arg13[%get3A_405, %get3A_406] {strides = array<i32>} : memref<512x32xf32, #tpu.memory_space<vmem>>, vector<16xf32>,
      %sub3A_408 = arith.subf %get3A_398, %get3A_404 : vector<16xf32>
      %mul3A_409 = arith.mulf %get3A_392, %sub3A_408 : vector<16xf32>
      %sub3A_410 = arith.subf %get3A_401, %get3A_407 : vector<16xf32>
      %mul3A_411 = arith.mulf %get3A_395, %sub3A_410 : vector<16xf32>
      %add3A_412 = arith.addf %mul3A_409, %mul3A_411 : vector<16xf32>
      %broadcast_in_dim3A_413 = vector.shape_cast %xor3A_194 : vector<16xi32> to vector<16x1xi32>
      %gather3A_414 = vector.shape_cast %broadcast_in_dim3A_413 : vector<16x1xi32> to vector<16xi32>
      %gather3A_415 = tpu.dynamic_gather %add3A_412[%gather3A_414] in [0] : vector<16xf32>, vector<16xi32> -> vector<16xf32>
      %add3A_416 = arith.addf %add3A_412, %gather3A_415 : vector<16xf32>
      %broadcast_in_dim3A_417 = vector.shape_cast %xor3A_197 : vector<16xi32> to vector<16x1xi32>
      %gather3A_418 = vector.shape_cast %broadcast_in_dim3A_417 : vector<16x1xi32> to vector<16xi32>
      %gather3A_419 = tpu.dynamic_gather %add3A_416[%gather3A_418] in [0] : vector<16xf32>, vector<16xi32> -> vector<16xf32>
      %add3A_420 = arith.addf %add3A_416, %gather3A_419 : vector<16xf32>
      %broadcast_in_dim3A_421 = vector.shape_cast %xor3A_200 : vector<16xi32> to vector<16x1xi32>
      %gather3A_422 = vector.shape_cast %broadcast_in_dim3A_421 : vector<16x1xi32> to vector<16xi32>
      %gather3A_423 = tpu.dynamic_gather %add3A_420[%gather3A_422] in [0] : vector<16xf32>, vector<16xi32> -> vector<16xf32>
      %add3A_424 = arith.addf %add3A_420, %gather3A_423 : vector<16xf32>
      %broadcast_in_dim3A_425 = vector.shape_cast %xor3A_203 : vector<16xi32> to vector<16x1xi32>
      %gather3A_426 = vector.shape_cast %broadcast_in_dim3A_425 : vector<16x1xi32> to vector<16xi32>
      %gather3A_427 = tpu.dynamic_gather %add3A_424[%gather3A_426] in [0] : vector<16xf32>, vector<16xi32> -> vector<16xf32>
      %add3A_428 = arith.addf %add3A_424, %gather3A_427 : vector<16xf32>
      %eq3A_429 = arith.constant 4 : i32
      %eq3A_430 = vector.broadcast %eq3A_429 : i32 to vector<16xi32>
      %eq3A_431 = arith.cmpi eq, %iota3A, %eq3A_430 : vector<16xi32>
      %select_n3A_432 = arith.select %eq3A_431, %add3A_428, %select_n3A_387 : vector<16xi1>, vector<16xf32>
      %add3A_433 = arith.constant 5 : i32
      %add3A_434 = arith.addi %mul3A_211, %add3A_433 : i32
      %get3A_435 = arith.index_cast %add3A_434 : i32 to index
      %get3A_436 = arith.constant 0 : index
      %get3A_437 = tpu.vector_load %arg11[%get3A_435, %get3A_436] {strides = array<i32>} : memref<512x32xf32, #tpu.memory_space<vmem>>, vector<16xf32>,
      %get3A_438 = arith.index_cast %add3A_434 : i32 to index
      %get3A_439 = arith.constant 16 : index
      %get3A_440 = tpu.vector_load %arg11[%get3A_438, %get3A_439] {strides = array<i32>} : memref<512x32xf32, #tpu.memory_space<vmem>>, vector<16xf32>,
      %get3A_441 = arith.index_cast %add3A_434 : i32 to index
      %get3A_442 = arith.constant 0 : index
      %get3A_443 = tpu.vector_load %arg12[%get3A_441, %get3A_442] {strides = array<i32>} : memref<512x32xf32, #tpu.memory_space<vmem>>, vector<16xf32>,
      %get3A_444 = arith.index_cast %add3A_434 : i32 to index
      %get3A_445 = arith.constant 16 : index
      %get3A_446 = tpu.vector_load %arg12[%get3A_444, %get3A_445] {strides = array<i32>} : memref<512x32xf32, #tpu.memory_space<vmem>>, vector<16xf32>,
      %get3A_447 = arith.index_cast %add3A_434 : i32 to index
      %get3A_448 = arith.constant 0 : index
      %get3A_449 = tpu.vector_load %arg13[%get3A_447, %get3A_448] {strides = array<i32>} : memref<512x32xf32, #tpu.memory_space<vmem>>, vector<16xf32>,
      %get3A_450 = arith.index_cast %add3A_434 : i32 to index
      %get3A_451 = arith.constant 16 : index
      %get3A_452 = tpu.vector_load %arg13[%get3A_450, %get3A_451] {strides = array<i32>} : memref<512x32xf32, #tpu.memory_space<vmem>>, vector<16xf32>,
      %sub3A_453 = arith.subf %get3A_443, %get3A_449 : vector<16xf32>
      %mul3A_454 = arith.mulf %get3A_437, %sub3A_453 : vector<16xf32>
      %sub3A_455 = arith.subf %get3A_446, %get3A_452 : vector<16xf32>
      %mul3A_456 = arith.mulf %get3A_440, %sub3A_455 : vector<16xf32>
      %add3A_457 = arith.addf %mul3A_454, %mul3A_456 : vector<16xf32>
      %broadcast_in_dim3A_458 = vector.shape_cast %xor3A_194 : vector<16xi32> to vector<16x1xi32>
      %gather3A_459 = vector.shape_cast %broadcast_in_dim3A_458 : vector<16x1xi32> to vector<16xi32>
      %gather3A_460 = tpu.dynamic_gather %add3A_457[%gather3A_459] in [0] : vector<16xf32>, vector<16xi32> -> vector<16xf32>
      %add3A_461 = arith.addf %add3A_457, %gather3A_460 : vector<16xf32>
      %broadcast_in_dim3A_462 = vector.shape_cast %xor3A_197 : vector<16xi32> to vector<16x1xi32>
      %gather3A_463 = vector.shape_cast %broadcast_in_dim3A_462 : vector<16x1xi32> to vector<16xi32>
      %gather3A_464 = tpu.dynamic_gather %add3A_461[%gather3A_463] in [0] : vector<16xf32>, vector<16xi32> -> vector<16xf32>
      %add3A_465 = arith.addf %add3A_461, %gather3A_464 : vector<16xf32>
      %broadcast_in_dim3A_466 = vector.shape_cast %xor3A_200 : vector<16xi32> to vector<16x1xi32>
      %gather3A_467 = vector.shape_cast %broadcast_in_dim3A_466 : vector<16x1xi32> to vector<16xi32>
      %gather3A_468 = tpu.dynamic_gather %add3A_465[%gather3A_467] in [0] : vector<16xf32>, vector<16xi32> -> vector<16xf32>
      %add3A_469 = arith.addf %add3A_465, %gather3A_468 : vector<16xf32>
      %broadcast_in_dim3A_470 = vector.shape_cast %xor3A_203 : vector<16xi32> to vector<16x1xi32>
      %gather3A_471 = vector.shape_cast %broadcast_in_dim3A_470 : vector<16x1xi32> to vector<16xi32>
      %gather3A_472 = tpu.dynamic_gather %add3A_469[%gather3A_471] in [0] : vector<16xf32>, vector<16xi32> -> vector<16xf32>
      %add3A_473 = arith.addf %add3A_469, %gather3A_472 : vector<16xf32>
      %eq3A_474 = arith.constant 5 : i32
      %eq3A_475 = vector.broadcast %eq3A_474 : i32 to vector<16xi32>
      %eq3A_476 = arith.cmpi eq, %iota3A, %eq3A_475 : vector<16xi32>
      %select_n3A_477 = arith.select %eq3A_476, %add3A_473, %select_n3A_432 : vector<16xi1>, vector<16xf32>
      %add3A_478 = arith.constant 6 : i32
      %add3A_479 = arith.addi %mul3A_211, %add3A_478 : i32
      %get3A_480 = arith.index_cast %add3A_479 : i32 to index
      %get3A_481 = arith.constant 0 : index
      %get3A_482 = tpu.vector_load %arg11[%get3A_480, %get3A_481] {strides = array<i32>} : memref<512x32xf32, #tpu.memory_space<vmem>>, vector<16xf32>,
      %get3A_483 = arith.index_cast %add3A_479 : i32 to index
      %get3A_484 = arith.constant 16 : index
      %get3A_485 = tpu.vector_load %arg11[%get3A_483, %get3A_484] {strides = array<i32>} : memref<512x32xf32, #tpu.memory_space<vmem>>, vector<16xf32>,
      %get3A_486 = arith.index_cast %add3A_479 : i32 to index
      %get3A_487 = arith.constant 0 : index
      %get3A_488 = tpu.vector_load %arg12[%get3A_486, %get3A_487] {strides = array<i32>} : memref<512x32xf32, #tpu.memory_space<vmem>>, vector<16xf32>,
      %get3A_489 = arith.index_cast %add3A_479 : i32 to index
      %get3A_490 = arith.constant 16 : index
      %get3A_491 = tpu.vector_load %arg12[%get3A_489, %get3A_490] {strides = array<i32>} : memref<512x32xf32, #tpu.memory_space<vmem>>, vector<16xf32>,
      %get3A_492 = arith.index_cast %add3A_479 : i32 to index
      %get3A_493 = arith.constant 0 : index
      %get3A_494 = tpu.vector_load %arg13[%get3A_492, %get3A_493] {strides = array<i32>} : memref<512x32xf32, #tpu.memory_space<vmem>>, vector<16xf32>,
      %get3A_495 = arith.index_cast %add3A_479 : i32 to index
      %get3A_496 = arith.constant 16 : index
      %get3A_497 = tpu.vector_load %arg13[%get3A_495, %get3A_496] {strides = array<i32>} : memref<512x32xf32, #tpu.memory_space<vmem>>, vector<16xf32>,
      %sub3A_498 = arith.subf %get3A_488, %get3A_494 : vector<16xf32>
      %mul3A_499 = arith.mulf %get3A_482, %sub3A_498 : vector<16xf32>
      %sub3A_500 = arith.subf %get3A_491, %get3A_497 : vector<16xf32>
      %mul3A_501 = arith.mulf %get3A_485, %sub3A_500 : vector<16xf32>
      %add3A_502 = arith.addf %mul3A_499, %mul3A_501 : vector<16xf32>
      %broadcast_in_dim3A_503 = vector.shape_cast %xor3A_194 : vector<16xi32> to vector<16x1xi32>
      %gather3A_504 = vector.shape_cast %broadcast_in_dim3A_503 : vector<16x1xi32> to vector<16xi32>
      %gather3A_505 = tpu.dynamic_gather %add3A_502[%gather3A_504] in [0] : vector<16xf32>, vector<16xi32> -> vector<16xf32>
      %add3A_506 = arith.addf %add3A_502, %gather3A_505 : vector<16xf32>
      %broadcast_in_dim3A_507 = vector.shape_cast %xor3A_197 : vector<16xi32> to vector<16x1xi32>
      %gather3A_508 = vector.shape_cast %broadcast_in_dim3A_507 : vector<16x1xi32> to vector<16xi32>
      %gather3A_509 = tpu.dynamic_gather %add3A_506[%gather3A_508] in [0] : vector<16xf32>, vector<16xi32> -> vector<16xf32>
      %add3A_510 = arith.addf %add3A_506, %gather3A_509 : vector<16xf32>
      %broadcast_in_dim3A_511 = vector.shape_cast %xor3A_200 : vector<16xi32> to vector<16x1xi32>
      %gather3A_512 = vector.shape_cast %broadcast_in_dim3A_511 : vector<16x1xi32> to vector<16xi32>
      %gather3A_513 = tpu.dynamic_gather %add3A_510[%gather3A_512] in [0] : vector<16xf32>, vector<16xi32> -> vector<16xf32>
      %add3A_514 = arith.addf %add3A_510, %gather3A_513 : vector<16xf32>
      %broadcast_in_dim3A_515 = vector.shape_cast %xor3A_203 : vector<16xi32> to vector<16x1xi32>
      %gather3A_516 = vector.shape_cast %broadcast_in_dim3A_515 : vector<16x1xi32> to vector<16xi32>
      %gather3A_517 = tpu.dynamic_gather %add3A_514[%gather3A_516] in [0] : vector<16xf32>, vector<16xi32> -> vector<16xf32>
      %add3A_518 = arith.addf %add3A_514, %gather3A_517 : vector<16xf32>
      %eq3A_519 = arith.constant 6 : i32
      %eq3A_520 = vector.broadcast %eq3A_519 : i32 to vector<16xi32>
      %eq3A_521 = arith.cmpi eq, %iota3A, %eq3A_520 : vector<16xi32>
      %select_n3A_522 = arith.select %eq3A_521, %add3A_518, %select_n3A_477 : vector<16xi1>, vector<16xf32>
      %add3A_523 = arith.constant 7 : i32
      %add3A_524 = arith.addi %mul3A_211, %add3A_523 : i32
      %get3A_525 = arith.index_cast %add3A_524 : i32 to index
      %get3A_526 = arith.constant 0 : index
      %get3A_527 = tpu.vector_load %arg11[%get3A_525, %get3A_526] {strides = array<i32>} : memref<512x32xf32, #tpu.memory_space<vmem>>, vector<16xf32>,
      %get3A_528 = arith.index_cast %add3A_524 : i32 to index
      %get3A_529 = arith.constant 16 : index
      %get3A_530 = tpu.vector_load %arg11[%get3A_528, %get3A_529] {strides = array<i32>} : memref<512x32xf32, #tpu.memory_space<vmem>>, vector<16xf32>,
      %get3A_531 = arith.index_cast %add3A_524 : i32 to index
      %get3A_532 = arith.constant 0 : index
      %get3A_533 = tpu.vector_load %arg12[%get3A_531, %get3A_532] {strides = array<i32>} : memref<512x32xf32, #tpu.memory_space<vmem>>, vector<16xf32>,
      %get3A_534 = arith.index_cast %add3A_524 : i32 to index
      %get3A_535 = arith.constant 16 : index
      %get3A_536 = tpu.vector_load %arg12[%get3A_534, %get3A_535] {strides = array<i32>} : memref<512x32xf32, #tpu.memory_space<vmem>>, vector<16xf32>,
      %get3A_537 = arith.index_cast %add3A_524 : i32 to index
      %get3A_538 = arith.constant 0 : index
      %get3A_539 = tpu.vector_load %arg13[%get3A_537, %get3A_538] {strides = array<i32>} : memref<512x32xf32, #tpu.memory_space<vmem>>, vector<16xf32>,
      %get3A_540 = arith.index_cast %add3A_524 : i32 to index
      %get3A_541 = arith.constant 16 : index
      %get3A_542 = tpu.vector_load %arg13[%get3A_540, %get3A_541] {strides = array<i32>} : memref<512x32xf32, #tpu.memory_space<vmem>>, vector<16xf32>,
      %sub3A_543 = arith.subf %get3A_533, %get3A_539 : vector<16xf32>
      %mul3A_544 = arith.mulf %get3A_527, %sub3A_543 : vector<16xf32>
      %sub3A_545 = arith.subf %get3A_536, %get3A_542 : vector<16xf32>
      %mul3A_546 = arith.mulf %get3A_530, %sub3A_545 : vector<16xf32>
      %add3A_547 = arith.addf %mul3A_544, %mul3A_546 : vector<16xf32>
      %broadcast_in_dim3A_548 = vector.shape_cast %xor3A_194 : vector<16xi32> to vector<16x1xi32>
      %gather3A_549 = vector.shape_cast %broadcast_in_dim3A_548 : vector<16x1xi32> to vector<16xi32>
      %gather3A_550 = tpu.dynamic_gather %add3A_547[%gather3A_549] in [0] : vector<16xf32>, vector<16xi32> -> vector<16xf32>
      %add3A_551 = arith.addf %add3A_547, %gather3A_550 : vector<16xf32>
      %broadcast_in_dim3A_552 = vector.shape_cast %xor3A_197 : vector<16xi32> to vector<16x1xi32>
      %gather3A_553 = vector.shape_cast %broadcast_in_dim3A_552 : vector<16x1xi32> to vector<16xi32>
      %gather3A_554 = tpu.dynamic_gather %add3A_551[%gather3A_553] in [0] : vector<16xf32>, vector<16xi32> -> vector<16xf32>
      %add3A_555 = arith.addf %add3A_551, %gather3A_554 : vector<16xf32>
      %broadcast_in_dim3A_556 = vector.shape_cast %xor3A_200 : vector<16xi32> to vector<16x1xi32>
      %gather3A_557 = vector.shape_cast %broadcast_in_dim3A_556 : vector<16x1xi32> to vector<16xi32>
      %gather3A_558 = tpu.dynamic_gather %add3A_555[%gather3A_557] in [0] : vector<16xf32>, vector<16xi32> -> vector<16xf32>
      %add3A_559 = arith.addf %add3A_555, %gather3A_558 : vector<16xf32>
      %broadcast_in_dim3A_560 = vector.shape_cast %xor3A_203 : vector<16xi32> to vector<16x1xi32>
      %gather3A_561 = vector.shape_cast %broadcast_in_dim3A_560 : vector<16x1xi32> to vector<16xi32>
      %gather3A_562 = tpu.dynamic_gather %add3A_559[%gather3A_561] in [0] : vector<16xf32>, vector<16xi32> -> vector<16xf32>
      %add3A_563 = arith.addf %add3A_559, %gather3A_562 : vector<16xf32>
      %eq3A_564 = arith.constant 7 : i32
      %eq3A_565 = vector.broadcast %eq3A_564 : i32 to vector<16xi32>
      %eq3A_566 = arith.cmpi eq, %iota3A, %eq3A_565 : vector<16xi32>
      %select_n3A_567 = arith.select %eq3A_566, %add3A_563, %select_n3A_522 : vector<16xi1>, vector<16xf32>
      %add3A_568 = arith.constant 8 : i32
      %add3A_569 = arith.addi %mul3A_211, %add3A_568 : i32
      %get3A_570 = arith.index_cast %add3A_569 : i32 to index
      %get3A_571 = arith.constant 0 : index
      %get3A_572 = tpu.vector_load %arg11[%get3A_570, %get3A_571] {strides = array<i32>} : memref<512x32xf32, #tpu.memory_space<vmem>>, vector<16xf32>,
      %get3A_573 = arith.index_cast %add3A_569 : i32 to index
      %get3A_574 = arith.constant 16 : index
      %get3A_575 = tpu.vector_load %arg11[%get3A_573, %get3A_574] {strides = array<i32>} : memref<512x32xf32, #tpu.memory_space<vmem>>, vector<16xf32>,
      %get3A_576 = arith.index_cast %add3A_569 : i32 to index
      %get3A_577 = arith.constant 0 : index
      %get3A_578 = tpu.vector_load %arg12[%get3A_576, %get3A_577] {strides = array<i32>} : memref<512x32xf32, #tpu.memory_space<vmem>>, vector<16xf32>,
      %get3A_579 = arith.index_cast %add3A_569 : i32 to index
      %get3A_580 = arith.constant 16 : index
      %get3A_581 = tpu.vector_load %arg12[%get3A_579, %get3A_580] {strides = array<i32>} : memref<512x32xf32, #tpu.memory_space<vmem>>, vector<16xf32>,
      %get3A_582 = arith.index_cast %add3A_569 : i32 to index
      %get3A_583 = arith.constant 0 : index
      %get3A_584 = tpu.vector_load %arg13[%get3A_582, %get3A_583] {strides = array<i32>} : memref<512x32xf32, #tpu.memory_space<vmem>>, vector<16xf32>,
      %get3A_585 = arith.index_cast %add3A_569 : i32 to index
      %get3A_586 = arith.constant 16 : index
      %get3A_587 = tpu.vector_load %arg13[%get3A_585, %get3A_586] {strides = array<i32>} : memref<512x32xf32, #tpu.memory_space<vmem>>, vector<16xf32>,
      %sub3A_588 = arith.subf %get3A_578, %get3A_584 : vector<16xf32>
      %mul3A_589 = arith.mulf %get3A_572, %sub3A_588 : vector<16xf32>
      %sub3A_590 = arith.subf %get3A_581, %get3A_587 : vector<16xf32>
      %mul3A_591 = arith.mulf %get3A_575, %sub3A_590 : vector<16xf32>
      %add3A_592 = arith.addf %mul3A_589, %mul3A_591 : vector<16xf32>
      %broadcast_in_dim3A_593 = vector.shape_cast %xor3A_194 : vector<16xi32> to vector<16x1xi32>
      %gather3A_594 = vector.shape_cast %broadcast_in_dim3A_593 : vector<16x1xi32> to vector<16xi32>
      %gather3A_595 = tpu.dynamic_gather %add3A_592[%gather3A_594] in [0] : vector<16xf32>, vector<16xi32> -> vector<16xf32>
      %add3A_596 = arith.addf %add3A_592, %gather3A_595 : vector<16xf32>
      %broadcast_in_dim3A_597 = vector.shape_cast %xor3A_197 : vector<16xi32> to vector<16x1xi32>
      %gather3A_598 = vector.shape_cast %broadcast_in_dim3A_597 : vector<16x1xi32> to vector<16xi32>
      %gather3A_599 = tpu.dynamic_gather %add3A_596[%gather3A_598] in [0] : vector<16xf32>, vector<16xi32> -> vector<16xf32>
      %add3A_600 = arith.addf %add3A_596, %gather3A_599 : vector<16xf32>
      %broadcast_in_dim3A_601 = vector.shape_cast %xor3A_200 : vector<16xi32> to vector<16x1xi32>
      %gather3A_602 = vector.shape_cast %broadcast_in_dim3A_601 : vector<16x1xi32> to vector<16xi32>
      %gather3A_603 = tpu.dynamic_gather %add3A_600[%gather3A_602] in [0] : vector<16xf32>, vector<16xi32> -> vector<16xf32>
      %add3A_604 = arith.addf %add3A_600, %gather3A_603 : vector<16xf32>
      %broadcast_in_dim3A_605 = vector.shape_cast %xor3A_203 : vector<16xi32> to vector<16x1xi32>
      %gather3A_606 = vector.shape_cast %broadcast_in_dim3A_605 : vector<16x1xi32> to vector<16xi32>
      %gather3A_607 = tpu.dynamic_gather %add3A_604[%gather3A_606] in [0] : vector<16xf32>, vector<16xi32> -> vector<16xf32>
      %add3A_608 = arith.addf %add3A_604, %gather3A_607 : vector<16xf32>
      %eq3A_609 = arith.constant 8 : i32
      %eq3A_610 = vector.broadcast %eq3A_609 : i32 to vector<16xi32>
      %eq3A_611 = arith.cmpi eq, %iota3A, %eq3A_610 : vector<16xi32>
      %select_n3A_612 = arith.select %eq3A_611, %add3A_608, %select_n3A_567 : vector<16xi1>, vector<16xf32>
      %add3A_613 = arith.constant 9 : i32
      %add3A_614 = arith.addi %mul3A_211, %add3A_613 : i32
      %get3A_615 = arith.index_cast %add3A_614 : i32 to index
      %get3A_616 = arith.constant 0 : index
      %get3A_617 = tpu.vector_load %arg11[%get3A_615, %get3A_616] {strides = array<i32>} : memref<512x32xf32, #tpu.memory_space<vmem>>, vector<16xf32>,
      %get3A_618 = arith.index_cast %add3A_614 : i32 to index
      %get3A_619 = arith.constant 16 : index
      %get3A_620 = tpu.vector_load %arg11[%get3A_618, %get3A_619] {strides = array<i32>} : memref<512x32xf32, #tpu.memory_space<vmem>>, vector<16xf32>,
      %get3A_621 = arith.index_cast %add3A_614 : i32 to index
      %get3A_622 = arith.constant 0 : index
      %get3A_623 = tpu.vector_load %arg12[%get3A_621, %get3A_622] {strides = array<i32>} : memref<512x32xf32, #tpu.memory_space<vmem>>, vector<16xf32>,
      %get3A_624 = arith.index_cast %add3A_614 : i32 to index
      %get3A_625 = arith.constant 16 : index
      %get3A_626 = tpu.vector_load %arg12[%get3A_624, %get3A_625] {strides = array<i32>} : memref<512x32xf32, #tpu.memory_space<vmem>>, vector<16xf32>,
      %get3A_627 = arith.index_cast %add3A_614 : i32 to index
      %get3A_628 = arith.constant 0 : index
      %get3A_629 = tpu.vector_load %arg13[%get3A_627, %get3A_628] {strides = array<i32>} : memref<512x32xf32, #tpu.memory_space<vmem>>, vector<16xf32>,
      %get3A_630 = arith.index_cast %add3A_614 : i32 to index
      %get3A_631 = arith.constant 16 : index
      %get3A_632 = tpu.vector_load %arg13[%get3A_630, %get3A_631] {strides = array<i32>} : memref<512x32xf32, #tpu.memory_space<vmem>>, vector<16xf32>,
      %sub3A_633 = arith.subf %get3A_623, %get3A_629 : vector<16xf32>
      %mul3A_634 = arith.mulf %get3A_617, %sub3A_633 : vector<16xf32>
      %sub3A_635 = arith.subf %get3A_626, %get3A_632 : vector<16xf32>
      %mul3A_636 = arith.mulf %get3A_620, %sub3A_635 : vector<16xf32>
      %add3A_637 = arith.addf %mul3A_634, %mul3A_636 : vector<16xf32>
      %broadcast_in_dim3A_638 = vector.shape_cast %xor3A_194 : vector<16xi32> to vector<16x1xi32>
      %gather3A_639 = vector.shape_cast %broadcast_in_dim3A_638 : vector<16x1xi32> to vector<16xi32>
      %gather3A_640 = tpu.dynamic_gather %add3A_637[%gather3A_639] in [0] : vector<16xf32>, vector<16xi32> -> vector<16xf32>
      %add3A_641 = arith.addf %add3A_637, %gather3A_640 : vector<16xf32>
      %broadcast_in_dim3A_642 = vector.shape_cast %xor3A_197 : vector<16xi32> to vector<16x1xi32>
      %gather3A_643 = vector.shape_cast %broadcast_in_dim3A_642 : vector<16x1xi32> to vector<16xi32>
      %gather3A_644 = tpu.dynamic_gather %add3A_641[%gather3A_643] in [0] : vector<16xf32>, vector<16xi32> -> vector<16xf32>
      %add3A_645 = arith.addf %add3A_641, %gather3A_644 : vector<16xf32>
      %broadcast_in_dim3A_646 = vector.shape_cast %xor3A_200 : vector<16xi32> to vector<16x1xi32>
      %gather3A_647 = vector.shape_cast %broadcast_in_dim3A_646 : vector<16x1xi32> to vector<16xi32>
      %gather3A_648 = tpu.dynamic_gather %add3A_645[%gather3A_647] in [0] : vector<16xf32>, vector<16xi32> -> vector<16xf32>
      %add3A_649 = arith.addf %add3A_645, %gather3A_648 : vector<16xf32>
      %broadcast_in_dim3A_650 = vector.shape_cast %xor3A_203 : vector<16xi32> to vector<16x1xi32>
      %gather3A_651 = vector.shape_cast %broadcast_in_dim3A_650 : vector<16x1xi32> to vector<16xi32>
      %gather3A_652 = tpu.dynamic_gather %add3A_649[%gather3A_651] in [0] : vector<16xf32>, vector<16xi32> -> vector<16xf32>
      %add3A_653 = arith.addf %add3A_649, %gather3A_652 : vector<16xf32>
      %eq3A_654 = arith.constant 9 : i32
      %eq3A_655 = vector.broadcast %eq3A_654 : i32 to vector<16xi32>
      %eq3A_656 = arith.cmpi eq, %iota3A, %eq3A_655 : vector<16xi32>
      %select_n3A_657 = arith.select %eq3A_656, %add3A_653, %select_n3A_612 : vector<16xi1>, vector<16xf32>
      %add3A_658 = arith.constant 10 : i32
      %add3A_659 = arith.addi %mul3A_211, %add3A_658 : i32
      %get3A_660 = arith.index_cast %add3A_659 : i32 to index
      %get3A_661 = arith.constant 0 : index
      %get3A_662 = tpu.vector_load %arg11[%get3A_660, %get3A_661] {strides = array<i32>} : memref<512x32xf32, #tpu.memory_space<vmem>>, vector<16xf32>,
      %get3A_663 = arith.index_cast %add3A_659 : i32 to index
      %get3A_664 = arith.constant 16 : index
      %get3A_665 = tpu.vector_load %arg11[%get3A_663, %get3A_664] {strides = array<i32>} : memref<512x32xf32, #tpu.memory_space<vmem>>, vector<16xf32>,
      %get3A_666 = arith.index_cast %add3A_659 : i32 to index
      %get3A_667 = arith.constant 0 : index
      %get3A_668 = tpu.vector_load %arg12[%get3A_666, %get3A_667] {strides = array<i32>} : memref<512x32xf32, #tpu.memory_space<vmem>>, vector<16xf32>,
      %get3A_669 = arith.index_cast %add3A_659 : i32 to index
      %get3A_670 = arith.constant 16 : index
      %get3A_671 = tpu.vector_load %arg12[%get3A_669, %get3A_670] {strides = array<i32>} : memref<512x32xf32, #tpu.memory_space<vmem>>, vector<16xf32>,
      %get3A_672 = arith.index_cast %add3A_659 : i32 to index
      %get3A_673 = arith.constant 0 : index
      %get3A_674 = tpu.vector_load %arg13[%get3A_672, %get3A_673] {strides = array<i32>} : memref<512x32xf32, #tpu.memory_space<vmem>>, vector<16xf32>,
      %get3A_675 = arith.index_cast %add3A_659 : i32 to index
      %get3A_676 = arith.constant 16 : index
      %get3A_677 = tpu.vector_load %arg13[%get3A_675, %get3A_676] {strides = array<i32>} : memref<512x32xf32, #tpu.memory_space<vmem>>, vector<16xf32>,
      %sub3A_678 = arith.subf %get3A_668, %get3A_674 : vector<16xf32>
      %mul3A_679 = arith.mulf %get3A_662, %sub3A_678 : vector<16xf32>
      %sub3A_680 = arith.subf %get3A_671, %get3A_677 : vector<16xf32>
      %mul3A_681 = arith.mulf %get3A_665, %sub3A_680 : vector<16xf32>
      %add3A_682 = arith.addf %mul3A_679, %mul3A_681 : vector<16xf32>
      %broadcast_in_dim3A_683 = vector.shape_cast %xor3A_194 : vector<16xi32> to vector<16x1xi32>
      %gather3A_684 = vector.shape_cast %broadcast_in_dim3A_683 : vector<16x1xi32> to vector<16xi32>
      %gather3A_685 = tpu.dynamic_gather %add3A_682[%gather3A_684] in [0] : vector<16xf32>, vector<16xi32> -> vector<16xf32>
      %add3A_686 = arith.addf %add3A_682, %gather3A_685 : vector<16xf32>
      %broadcast_in_dim3A_687 = vector.shape_cast %xor3A_197 : vector<16xi32> to vector<16x1xi32>
      %gather3A_688 = vector.shape_cast %broadcast_in_dim3A_687 : vector<16x1xi32> to vector<16xi32>
      %gather3A_689 = tpu.dynamic_gather %add3A_686[%gather3A_688] in [0] : vector<16xf32>, vector<16xi32> -> vector<16xf32>
      %add3A_690 = arith.addf %add3A_686, %gather3A_689 : vector<16xf32>
      %broadcast_in_dim3A_691 = vector.shape_cast %xor3A_200 : vector<16xi32> to vector<16x1xi32>
      %gather3A_692 = vector.shape_cast %broadcast_in_dim3A_691 : vector<16x1xi32> to vector<16xi32>
      %gather3A_693 = tpu.dynamic_gather %add3A_690[%gather3A_692] in [0] : vector<16xf32>, vector<16xi32> -> vector<16xf32>
      %add3A_694 = arith.addf %add3A_690, %gather3A_693 : vector<16xf32>
      %broadcast_in_dim3A_695 = vector.shape_cast %xor3A_203 : vector<16xi32> to vector<16x1xi32>
      %gather3A_696 = vector.shape_cast %broadcast_in_dim3A_695 : vector<16x1xi32> to vector<16xi32>
      %gather3A_697 = tpu.dynamic_gather %add3A_694[%gather3A_696] in [0] : vector<16xf32>, vector<16xi32> -> vector<16xf32>
      %add3A_698 = arith.addf %add3A_694, %gather3A_697 : vector<16xf32>
      %eq3A_699 = arith.constant 10 : i32
      %eq3A_700 = vector.broadcast %eq3A_699 : i32 to vector<16xi32>
      %eq3A_701 = arith.cmpi eq, %iota3A, %eq3A_700 : vector<16xi32>
      %select_n3A_702 = arith.select %eq3A_701, %add3A_698, %select_n3A_657 : vector<16xi1>, vector<16xf32>
      %add3A_703 = arith.constant 11 : i32
      %add3A_704 = arith.addi %mul3A_211, %add3A_703 : i32
      %get3A_705 = arith.index_cast %add3A_704 : i32 to index
      %get3A_706 = arith.constant 0 : index
      %get3A_707 = tpu.vector_load %arg11[%get3A_705, %get3A_706] {strides = array<i32>} : memref<512x32xf32, #tpu.memory_space<vmem>>, vector<16xf32>,
      %get3A_708 = arith.index_cast %add3A_704 : i32 to index
      %get3A_709 = arith.constant 16 : index
      %get3A_710 = tpu.vector_load %arg11[%get3A_708, %get3A_709] {strides = array<i32>} : memref<512x32xf32, #tpu.memory_space<vmem>>, vector<16xf32>,
      %get3A_711 = arith.index_cast %add3A_704 : i32 to index
      %get3A_712 = arith.constant 0 : index
      %get3A_713 = tpu.vector_load %arg12[%get3A_711, %get3A_712] {strides = array<i32>} : memref<512x32xf32, #tpu.memory_space<vmem>>, vector<16xf32>,
      %get3A_714 = arith.index_cast %add3A_704 : i32 to index
      %get3A_715 = arith.constant 16 : index
      %get3A_716 = tpu.vector_load %arg12[%get3A_714, %get3A_715] {strides = array<i32>} : memref<512x32xf32, #tpu.memory_space<vmem>>, vector<16xf32>,
      %get3A_717 = arith.index_cast %add3A_704 : i32 to index
      %get3A_718 = arith.constant 0 : index
      %get3A_719 = tpu.vector_load %arg13[%get3A_717, %get3A_718] {strides = array<i32>} : memref<512x32xf32, #tpu.memory_space<vmem>>, vector<16xf32>,
      %get3A_720 = arith.index_cast %add3A_704 : i32 to index
      %get3A_721 = arith.constant 16 : index
      %get3A_722 = tpu.vector_load %arg13[%get3A_720, %get3A_721] {strides = array<i32>} : memref<512x32xf32, #tpu.memory_space<vmem>>, vector<16xf32>,
      %sub3A_723 = arith.subf %get3A_713, %get3A_719 : vector<16xf32>
      %mul3A_724 = arith.mulf %get3A_707, %sub3A_723 : vector<16xf32>
      %sub3A_725 = arith.subf %get3A_716, %get3A_722 : vector<16xf32>
      %mul3A_726 = arith.mulf %get3A_710, %sub3A_725 : vector<16xf32>
      %add3A_727 = arith.addf %mul3A_724, %mul3A_726 : vector<16xf32>
      %broadcast_in_dim3A_728 = vector.shape_cast %xor3A_194 : vector<16xi32> to vector<16x1xi32>
      %gather3A_729 = vector.shape_cast %broadcast_in_dim3A_728 : vector<16x1xi32> to vector<16xi32>
      %gather3A_730 = tpu.dynamic_gather %add3A_727[%gather3A_729] in [0] : vector<16xf32>, vector<16xi32> -> vector<16xf32>
      %add3A_731 = arith.addf %add3A_727, %gather3A_730 : vector<16xf32>
      %broadcast_in_dim3A_732 = vector.shape_cast %xor3A_197 : vector<16xi32> to vector<16x1xi32>
      %gather3A_733 = vector.shape_cast %broadcast_in_dim3A_732 : vector<16x1xi32> to vector<16xi32>
      %gather3A_734 = tpu.dynamic_gather %add3A_731[%gather3A_733] in [0] : vector<16xf32>, vector<16xi32> -> vector<16xf32>
      %add3A_735 = arith.addf %add3A_731, %gather3A_734 : vector<16xf32>
      %broadcast_in_dim3A_736 = vector.shape_cast %xor3A_200 : vector<16xi32> to vector<16x1xi32>
      %gather3A_737 = vector.shape_cast %broadcast_in_dim3A_736 : vector<16x1xi32> to vector<16xi32>
      %gather3A_738 = tpu.dynamic_gather %add3A_735[%gather3A_737] in [0] : vector<16xf32>, vector<16xi32> -> vector<16xf32>
      %add3A_739 = arith.addf %add3A_735, %gather3A_738 : vector<16xf32>
      %broadcast_in_dim3A_740 = vector.shape_cast %xor3A_203 : vector<16xi32> to vector<16x1xi32>
      %gather3A_741 = vector.shape_cast %broadcast_in_dim3A_740 : vector<16x1xi32> to vector<16xi32>
      %gather3A_742 = tpu.dynamic_gather %add3A_739[%gather3A_741] in [0] : vector<16xf32>, vector<16xi32> -> vector<16xf32>
      %add3A_743 = arith.addf %add3A_739, %gather3A_742 : vector<16xf32>
      %eq3A_744 = arith.constant 11 : i32
      %eq3A_745 = vector.broadcast %eq3A_744 : i32 to vector<16xi32>
      %eq3A_746 = arith.cmpi eq, %iota3A, %eq3A_745 : vector<16xi32>
      %select_n3A_747 = arith.select %eq3A_746, %add3A_743, %select_n3A_702 : vector<16xi1>, vector<16xf32>
      %add3A_748 = arith.constant 12 : i32
      %add3A_749 = arith.addi %mul3A_211, %add3A_748 : i32
      %get3A_750 = arith.index_cast %add3A_749 : i32 to index
      %get3A_751 = arith.constant 0 : index
      %get3A_752 = tpu.vector_load %arg11[%get3A_750, %get3A_751] {strides = array<i32>} : memref<512x32xf32, #tpu.memory_space<vmem>>, vector<16xf32>,
      %get3A_753 = arith.index_cast %add3A_749 : i32 to index
      %get3A_754 = arith.constant 16 : index
      %get3A_755 = tpu.vector_load %arg11[%get3A_753, %get3A_754] {strides = array<i32>} : memref<512x32xf32, #tpu.memory_space<vmem>>, vector<16xf32>,
      %get3A_756 = arith.index_cast %add3A_749 : i32 to index
      %get3A_757 = arith.constant 0 : index
      %get3A_758 = tpu.vector_load %arg12[%get3A_756, %get3A_757] {strides = array<i32>} : memref<512x32xf32, #tpu.memory_space<vmem>>, vector<16xf32>,
      %get3A_759 = arith.index_cast %add3A_749 : i32 to index
      %get3A_760 = arith.constant 16 : index
      %get3A_761 = tpu.vector_load %arg12[%get3A_759, %get3A_760] {strides = array<i32>} : memref<512x32xf32, #tpu.memory_space<vmem>>, vector<16xf32>,
      %get3A_762 = arith.index_cast %add3A_749 : i32 to index
      %get3A_763 = arith.constant 0 : index
      %get3A_764 = tpu.vector_load %arg13[%get3A_762, %get3A_763] {strides = array<i32>} : memref<512x32xf32, #tpu.memory_space<vmem>>, vector<16xf32>,
      %get3A_765 = arith.index_cast %add3A_749 : i32 to index
      %get3A_766 = arith.constant 16 : index
      %get3A_767 = tpu.vector_load %arg13[%get3A_765, %get3A_766] {strides = array<i32>} : memref<512x32xf32, #tpu.memory_space<vmem>>, vector<16xf32>,
      %sub3A_768 = arith.subf %get3A_758, %get3A_764 : vector<16xf32>
      %mul3A_769 = arith.mulf %get3A_752, %sub3A_768 : vector<16xf32>
      %sub3A_770 = arith.subf %get3A_761, %get3A_767 : vector<16xf32>
      %mul3A_771 = arith.mulf %get3A_755, %sub3A_770 : vector<16xf32>
      %add3A_772 = arith.addf %mul3A_769, %mul3A_771 : vector<16xf32>
      %broadcast_in_dim3A_773 = vector.shape_cast %xor3A_194 : vector<16xi32> to vector<16x1xi32>
      %gather3A_774 = vector.shape_cast %broadcast_in_dim3A_773 : vector<16x1xi32> to vector<16xi32>
      %gather3A_775 = tpu.dynamic_gather %add3A_772[%gather3A_774] in [0] : vector<16xf32>, vector<16xi32> -> vector<16xf32>
      %add3A_776 = arith.addf %add3A_772, %gather3A_775 : vector<16xf32>
      %broadcast_in_dim3A_777 = vector.shape_cast %xor3A_197 : vector<16xi32> to vector<16x1xi32>
      %gather3A_778 = vector.shape_cast %broadcast_in_dim3A_777 : vector<16x1xi32> to vector<16xi32>
      %gather3A_779 = tpu.dynamic_gather %add3A_776[%gather3A_778] in [0] : vector<16xf32>, vector<16xi32> -> vector<16xf32>
      %add3A_780 = arith.addf %add3A_776, %gather3A_779 : vector<16xf32>
      %broadcast_in_dim3A_781 = vector.shape_cast %xor3A_200 : vector<16xi32> to vector<16x1xi32>
      %gather3A_782 = vector.shape_cast %broadcast_in_dim3A_781 : vector<16x1xi32> to vector<16xi32>
      %gather3A_783 = tpu.dynamic_gather %add3A_780[%gather3A_782] in [0] : vector<16xf32>, vector<16xi32> -> vector<16xf32>
      %add3A_784 = arith.addf %add3A_780, %gather3A_783 : vector<16xf32>
      %broadcast_in_dim3A_785 = vector.shape_cast %xor3A_203 : vector<16xi32> to vector<16x1xi32>
      %gather3A_786 = vector.shape_cast %broadcast_in_dim3A_785 : vector<16x1xi32> to vector<16xi32>
      %gather3A_787 = tpu.dynamic_gather %add3A_784[%gather3A_786] in [0] : vector<16xf32>, vector<16xi32> -> vector<16xf32>
      %add3A_788 = arith.addf %add3A_784, %gather3A_787 : vector<16xf32>
      %eq3A_789 = arith.constant 12 : i32
      %eq3A_790 = vector.broadcast %eq3A_789 : i32 to vector<16xi32>
      %eq3A_791 = arith.cmpi eq, %iota3A, %eq3A_790 : vector<16xi32>
      %select_n3A_792 = arith.select %eq3A_791, %add3A_788, %select_n3A_747 : vector<16xi1>, vector<16xf32>
      %add3A_793 = arith.constant 13 : i32
      %add3A_794 = arith.addi %mul3A_211, %add3A_793 : i32
      %get3A_795 = arith.index_cast %add3A_794 : i32 to index
      %get3A_796 = arith.constant 0 : index
      %get3A_797 = tpu.vector_load %arg11[%get3A_795, %get3A_796] {strides = array<i32>} : memref<512x32xf32, #tpu.memory_space<vmem>>, vector<16xf32>,
      %get3A_798 = arith.index_cast %add3A_794 : i32 to index
      %get3A_799 = arith.constant 16 : index
      %get3A_800 = tpu.vector_load %arg11[%get3A_798, %get3A_799] {strides = array<i32>} : memref<512x32xf32, #tpu.memory_space<vmem>>, vector<16xf32>,
      %get3A_801 = arith.index_cast %add3A_794 : i32 to index
      %get3A_802 = arith.constant 0 : index
      %get3A_803 = tpu.vector_load %arg12[%get3A_801, %get3A_802] {strides = array<i32>} : memref<512x32xf32, #tpu.memory_space<vmem>>, vector<16xf32>,
      %get3A_804 = arith.index_cast %add3A_794 : i32 to index
      %get3A_805 = arith.constant 16 : index
      %get3A_806 = tpu.vector_load %arg12[%get3A_804, %get3A_805] {strides = array<i32>} : memref<512x32xf32, #tpu.memory_space<vmem>>, vector<16xf32>,
      %get3A_807 = arith.index_cast %add3A_794 : i32 to index
      %get3A_808 = arith.constant 0 : index
      %get3A_809 = tpu.vector_load %arg13[%get3A_807, %get3A_808] {strides = array<i32>} : memref<512x32xf32, #tpu.memory_space<vmem>>, vector<16xf32>,
      %get3A_810 = arith.index_cast %add3A_794 : i32 to index
      %get3A_811 = arith.constant 16 : index
      %get3A_812 = tpu.vector_load %arg13[%get3A_810, %get3A_811] {strides = array<i32>} : memref<512x32xf32, #tpu.memory_space<vmem>>, vector<16xf32>,
      %sub3A_813 = arith.subf %get3A_803, %get3A_809 : vector<16xf32>
      %mul3A_814 = arith.mulf %get3A_797, %sub3A_813 : vector<16xf32>
      %sub3A_815 = arith.subf %get3A_806, %get3A_812 : vector<16xf32>
      %mul3A_816 = arith.mulf %get3A_800, %sub3A_815 : vector<16xf32>
      %add3A_817 = arith.addf %mul3A_814, %mul3A_816 : vector<16xf32>
      %broadcast_in_dim3A_818 = vector.shape_cast %xor3A_194 : vector<16xi32> to vector<16x1xi32>
      %gather3A_819 = vector.shape_cast %broadcast_in_dim3A_818 : vector<16x1xi32> to vector<16xi32>
      %gather3A_820 = tpu.dynamic_gather %add3A_817[%gather3A_819] in [0] : vector<16xf32>, vector<16xi32> -> vector<16xf32>
      %add3A_821 = arith.addf %add3A_817, %gather3A_820 : vector<16xf32>
      %broadcast_in_dim3A_822 = vector.shape_cast %xor3A_197 : vector<16xi32> to vector<16x1xi32>
      %gather3A_823 = vector.shape_cast %broadcast_in_dim3A_822 : vector<16x1xi32> to vector<16xi32>
      %gather3A_824 = tpu.dynamic_gather %add3A_821[%gather3A_823] in [0] : vector<16xf32>, vector<16xi32> -> vector<16xf32>
      %add3A_825 = arith.addf %add3A_821, %gather3A_824 : vector<16xf32>
      %broadcast_in_dim3A_826 = vector.shape_cast %xor3A_200 : vector<16xi32> to vector<16x1xi32>
      %gather3A_827 = vector.shape_cast %broadcast_in_dim3A_826 : vector<16x1xi32> to vector<16xi32>
      %gather3A_828 = tpu.dynamic_gather %add3A_825[%gather3A_827] in [0] : vector<16xf32>, vector<16xi32> -> vector<16xf32>
      %add3A_829 = arith.addf %add3A_825, %gather3A_828 : vector<16xf32>
      %broadcast_in_dim3A_830 = vector.shape_cast %xor3A_203 : vector<16xi32> to vector<16x1xi32>
      %gather3A_831 = vector.shape_cast %broadcast_in_dim3A_830 : vector<16x1xi32> to vector<16xi32>
      %gather3A_832 = tpu.dynamic_gather %add3A_829[%gather3A_831] in [0] : vector<16xf32>, vector<16xi32> -> vector<16xf32>
      %add3A_833 = arith.addf %add3A_829, %gather3A_832 : vector<16xf32>
      %eq3A_834 = arith.constant 13 : i32
      %eq3A_835 = vector.broadcast %eq3A_834 : i32 to vector<16xi32>
      %eq3A_836 = arith.cmpi eq, %iota3A, %eq3A_835 : vector<16xi32>
      %select_n3A_837 = arith.select %eq3A_836, %add3A_833, %select_n3A_792 : vector<16xi1>, vector<16xf32>
      %add3A_838 = arith.constant 14 : i32
      %add3A_839 = arith.addi %mul3A_211, %add3A_838 : i32
      %get3A_840 = arith.index_cast %add3A_839 : i32 to index
      %get3A_841 = arith.constant 0 : index
      %get3A_842 = tpu.vector_load %arg11[%get3A_840, %get3A_841] {strides = array<i32>} : memref<512x32xf32, #tpu.memory_space<vmem>>, vector<16xf32>,
      %get3A_843 = arith.index_cast %add3A_839 : i32 to index
      %get3A_844 = arith.constant 16 : index
      %get3A_845 = tpu.vector_load %arg11[%get3A_843, %get3A_844] {strides = array<i32>} : memref<512x32xf32, #tpu.memory_space<vmem>>, vector<16xf32>,
      %get3A_846 = arith.index_cast %add3A_839 : i32 to index
      %get3A_847 = arith.constant 0 : index
      %get3A_848 = tpu.vector_load %arg12[%get3A_846, %get3A_847] {strides = array<i32>} : memref<512x32xf32, #tpu.memory_space<vmem>>, vector<16xf32>,
      %get3A_849 = arith.index_cast %add3A_839 : i32 to index
      %get3A_850 = arith.constant 16 : index
      %get3A_851 = tpu.vector_load %arg12[%get3A_849, %get3A_850] {strides = array<i32>} : memref<512x32xf32, #tpu.memory_space<vmem>>, vector<16xf32>,
      %get3A_852 = arith.index_cast %add3A_839 : i32 to index
      %get3A_853 = arith.constant 0 : index
      %get3A_854 = tpu.vector_load %arg13[%get3A_852, %get3A_853] {strides = array<i32>} : memref<512x32xf32, #tpu.memory_space<vmem>>, vector<16xf32>,
      %get3A_855 = arith.index_cast %add3A_839 : i32 to index
      %get3A_856 = arith.constant 16 : index
      %get3A_857 = tpu.vector_load %arg13[%get3A_855, %get3A_856] {strides = array<i32>} : memref<512x32xf32, #tpu.memory_space<vmem>>, vector<16xf32>,
      %sub3A_858 = arith.subf %get3A_848, %get3A_854 : vector<16xf32>
      %mul3A_859 = arith.mulf %get3A_842, %sub3A_858 : vector<16xf32>
      %sub3A_860 = arith.subf %get3A_851, %get3A_857 : vector<16xf32>
      %mul3A_861 = arith.mulf %get3A_845, %sub3A_860 : vector<16xf32>
      %add3A_862 = arith.addf %mul3A_859, %mul3A_861 : vector<16xf32>
      %broadcast_in_dim3A_863 = vector.shape_cast %xor3A_194 : vector<16xi32> to vector<16x1xi32>
      %gather3A_864 = vector.shape_cast %broadcast_in_dim3A_863 : vector<16x1xi32> to vector<16xi32>
      %gather3A_865 = tpu.dynamic_gather %add3A_862[%gather3A_864] in [0] : vector<16xf32>, vector<16xi32> -> vector<16xf32>
      %add3A_866 = arith.addf %add3A_862, %gather3A_865 : vector<16xf32>
      %broadcast_in_dim3A_867 = vector.shape_cast %xor3A_197 : vector<16xi32> to vector<16x1xi32>
      %gather3A_868 = vector.shape_cast %broadcast_in_dim3A_867 : vector<16x1xi32> to vector<16xi32>
      %gather3A_869 = tpu.dynamic_gather %add3A_866[%gather3A_868] in [0] : vector<16xf32>, vector<16xi32> -> vector<16xf32>
      %add3A_870 = arith.addf %add3A_866, %gather3A_869 : vector<16xf32>
      %broadcast_in_dim3A_871 = vector.shape_cast %xor3A_200 : vector<16xi32> to vector<16x1xi32>
      %gather3A_872 = vector.shape_cast %broadcast_in_dim3A_871 : vector<16x1xi32> to vector<16xi32>
      %gather3A_873 = tpu.dynamic_gather %add3A_870[%gather3A_872] in [0] : vector<16xf32>, vector<16xi32> -> vector<16xf32>
      %add3A_874 = arith.addf %add3A_870, %gather3A_873 : vector<16xf32>
      %broadcast_in_dim3A_875 = vector.shape_cast %xor3A_203 : vector<16xi32> to vector<16x1xi32>
      %gather3A_876 = vector.shape_cast %broadcast_in_dim3A_875 : vector<16x1xi32> to vector<16xi32>
      %gather3A_877 = tpu.dynamic_gather %add3A_874[%gather3A_876] in [0] : vector<16xf32>, vector<16xi32> -> vector<16xf32>
      %add3A_878 = arith.addf %add3A_874, %gather3A_877 : vector<16xf32>
      %eq3A_879 = arith.constant 14 : i32
      %eq3A_880 = vector.broadcast %eq3A_879 : i32 to vector<16xi32>
      %eq3A_881 = arith.cmpi eq, %iota3A, %eq3A_880 : vector<16xi32>
      %select_n3A_882 = arith.select %eq3A_881, %add3A_878, %select_n3A_837 : vector<16xi1>, vector<16xf32>
      %add3A_883 = arith.constant 15 : i32
      %add3A_884 = arith.addi %mul3A_211, %add3A_883 : i32
      %get3A_885 = arith.index_cast %add3A_884 : i32 to index
      %get3A_886 = arith.constant 0 : index
      %get3A_887 = tpu.vector_load %arg11[%get3A_885, %get3A_886] {strides = array<i32>} : memref<512x32xf32, #tpu.memory_space<vmem>>, vector<16xf32>,
      %get3A_888 = arith.index_cast %add3A_884 : i32 to index
      %get3A_889 = arith.constant 16 : index
      %get3A_890 = tpu.vector_load %arg11[%get3A_888, %get3A_889] {strides = array<i32>} : memref<512x32xf32, #tpu.memory_space<vmem>>, vector<16xf32>,
      %get3A_891 = arith.index_cast %add3A_884 : i32 to index
      %get3A_892 = arith.constant 0 : index
      %get3A_893 = tpu.vector_load %arg12[%get3A_891, %get3A_892] {strides = array<i32>} : memref<512x32xf32, #tpu.memory_space<vmem>>, vector<16xf32>,
      %get3A_894 = arith.index_cast %add3A_884 : i32 to index
      %get3A_895 = arith.constant 16 : index
      %get3A_896 = tpu.vector_load %arg12[%get3A_894, %get3A_895] {strides = array<i32>} : memref<512x32xf32, #tpu.memory_space<vmem>>, vector<16xf32>,
      %get3A_897 = arith.index_cast %add3A_884 : i32 to index
      %get3A_898 = arith.constant 0 : index
      %get3A_899 = tpu.vector_load %arg13[%get3A_897, %get3A_898] {strides = array<i32>} : memref<512x32xf32, #tpu.memory_space<vmem>>, vector<16xf32>,
      %get3A_900 = arith.index_cast %add3A_884 : i32 to index
      %get3A_901 = arith.constant 16 : index
      %get3A_902 = tpu.vector_load %arg13[%get3A_900, %get3A_901] {strides = array<i32>} : memref<512x32xf32, #tpu.memory_space<vmem>>, vector<16xf32>,
      %sub3A_903 = arith.subf %get3A_893, %get3A_899 : vector<16xf32>
      %mul3A_904 = arith.mulf %get3A_887, %sub3A_903 : vector<16xf32>
      %sub3A_905 = arith.subf %get3A_896, %get3A_902 : vector<16xf32>
      %mul3A_906 = arith.mulf %get3A_890, %sub3A_905 : vector<16xf32>
      %add3A_907 = arith.addf %mul3A_904, %mul3A_906 : vector<16xf32>
      %broadcast_in_dim3A_908 = vector.shape_cast %xor3A_194 : vector<16xi32> to vector<16x1xi32>
      %gather3A_909 = vector.shape_cast %broadcast_in_dim3A_908 : vector<16x1xi32> to vector<16xi32>
      %gather3A_910 = tpu.dynamic_gather %add3A_907[%gather3A_909] in [0] : vector<16xf32>, vector<16xi32> -> vector<16xf32>
      %add3A_911 = arith.addf %add3A_907, %gather3A_910 : vector<16xf32>
      %broadcast_in_dim3A_912 = vector.shape_cast %xor3A_197 : vector<16xi32> to vector<16x1xi32>
      %gather3A_913 = vector.shape_cast %broadcast_in_dim3A_912 : vector<16x1xi32> to vector<16xi32>
      %gather3A_914 = tpu.dynamic_gather %add3A_911[%gather3A_913] in [0] : vector<16xf32>, vector<16xi32> -> vector<16xf32>
      %add3A_915 = arith.addf %add3A_911, %gather3A_914 : vector<16xf32>
      %broadcast_in_dim3A_916 = vector.shape_cast %xor3A_200 : vector<16xi32> to vector<16x1xi32>
      %gather3A_917 = vector.shape_cast %broadcast_in_dim3A_916 : vector<16x1xi32> to vector<16xi32>
      %gather3A_918 = tpu.dynamic_gather %add3A_915[%gather3A_917] in [0] : vector<16xf32>, vector<16xi32> -> vector<16xf32>
      %add3A_919 = arith.addf %add3A_915, %gather3A_918 : vector<16xf32>
      %broadcast_in_dim3A_920 = vector.shape_cast %xor3A_203 : vector<16xi32> to vector<16x1xi32>
      %gather3A_921 = vector.shape_cast %broadcast_in_dim3A_920 : vector<16x1xi32> to vector<16xi32>
      %gather3A_922 = tpu.dynamic_gather %add3A_919[%gather3A_921] in [0] : vector<16xf32>, vector<16xi32> -> vector<16xf32>
      %add3A_923 = arith.addf %add3A_919, %gather3A_922 : vector<16xf32>
      %eq3A_924 = arith.constant 15 : i32
      %eq3A_925 = vector.broadcast %eq3A_924 : i32 to vector<16xi32>
      %eq3A_926 = arith.cmpi eq, %iota3A, %eq3A_925 : vector<16xi32>
      %select_n3A_927 = arith.select %eq3A_926, %add3A_923, %select_n3A_882 : vector<16xi1>, vector<16xf32>
      %swap3A = arith.index_cast %mul3A_211 : i32 to index
      %swap3A_928 = tpu.vector_load %arg14[%swap3A] {strides = array<i32>} : memref<512xf32, #tpu.memory_space<vmem>>, vector<16xf32>,
      tpu.vector_store %arg14[%swap3A], %select_n3A_927 {strides = array<i32>} : memref<512xf32, #tpu.memory_space<vmem>>, vector<16xf32>,
    }
    %scan3A_208 = arith.constant 32 : i32
    "tpu.region"() ({
      %run_scoped3A = tpu.sem_alloc : memref<!tpu.dma_semaphore, #tpu.memory_space<semaphore_mem>>
      %dma_start3A_209 = tpu.memref_slice %arg7[%mul3A_2] : memref<16384xf32, #tpu.memory_space<hbm>> -> memref<512xf32, #tpu.memory_space<hbm>>
      %dma_start3A_210 = tpu.memref_slice %arg7[%mul3A_2] : memref<16384xf32, #tpu.memory_space<hbm>> -> memref<512xf32, #tpu.memory_space<hbm>>
      tpu.enqueue_dma source(%arg14 : memref<512xf32, #tpu.memory_space<vmem>>) target(%dma_start3A_210 : memref<512xf32, #tpu.memory_space<hbm>>) target_semaphore(%run_scoped3A : memref<!tpu.dma_semaphore, #tpu.memory_space<semaphore_mem>>)
      %dma_wait3A_211 = tpu.memref_slice %arg7[%mul3A_2] : memref<16384xf32, #tpu.memory_space<hbm>> -> memref<512xf32, #tpu.memory_space<hbm>>
      %dma_wait3A_212 = tpu.memref_slice %arg7[%mul3A_2] : memref<16384xf32, #tpu.memory_space<hbm>> -> memref<512xf32, #tpu.memory_space<hbm>>
      tpu.wait_dma2 semaphore(%run_scoped3A : memref<!tpu.dma_semaphore, #tpu.memory_space<semaphore_mem>>) src(%arg14 : memref<512xf32, #tpu.memory_space<vmem>>) dst(%dma_wait3A_212 : memref<512xf32, #tpu.memory_space<hbm>>)
      tpu.yield
    }) : () -> ()
    return
  }
}

</mosaic_0001>

<sc_bundles>
// kernel: kernel.3.cloned.1.call-start
scs
__scs_entry_jumppad:
0x0: {  	(pc) =	sbr.rel $0x88, $3  }
0x1: {  	(tag) =	ssettag $0x0;
	lr =	simm.s32 $0x1  }
0x2: {  	[smem:$0x3F9E] =	sst lr;
	_ =	strace $0xD0000000  }
0x3: {  	_ = 	snop  }
0x4: {  	_ = 	snop  }
0x5: {  	_ = 	snop  }
0x6: {  	_ = 	snop  }
0x7: {  	_ = 	snop  }
__scs_overlays_trampoline_lowered:
0x8: {  	[smem:$0x3FAD] =	sst s0  }
0x9: {  	[smem:$0x3FAE] =	sst s1  }
0xa: {  	[smem:$0x3FAF] =	sst s2  }
0xb: {  	[smem:$0x3FB0] =	sst s3  }
0xc: {  	[smem:$0x3FB1] =	sst s4  }
0xd: {  	[smem:$0x3FB2] =	sst s5  }
0xe: {  	[smem:$0x3FB3] =	sst s6  }
0xf: {  	[smem:$0x3FB4] =	sst s7  }
0x10: {  	[smem:$0x3FB5] =	sst s8  }
0x11: {  	[smem:$0x3FB6] =	sst s9;
	s0 =	simm.s32 @!p0 $0x0  }
0x12: {  	s1 =	sld [smem:$0x3F9C];
	s0 =	simm.s32 @p0 $0x1  }
0x13: {  	[smem:$0x3FB7] =	sst s0;
	s0 =	simm.s32 @!p1 $0x0  }
0x14: {  	s2 =	sld [smem:$0x3F9B];
	s0 =	simm.s32 @p1 $0x1  }
0x15: {  	[smem:$0x3FB8] =	sst s0;
	s0 =	simm.s32 @!p2 $0x0  }
0x16: {  	s3 =	sld [smem:$0x3FDB];
	s0 =	simm.s32 @p2 $0x1  }
0x17: {  	s4 =	simm.s32 $0x1BF5;
	[smem:$0x3FBA] =	sst s0  }
0x18: {  	s0 =	sld [smem:$0x3F9D];
	_ =	swait.ge [sflag:s4], $0x0  }
0x19: {  	s7 =	sld [smem:$0x3F9E]  }
0x1a: {  	s8 =	sadd.s32 $0xFFFFE003, lr  }
0x1b: {  	s9 =	sadd.s32 $0xFFFFFEF7, lr;
	s5 =	simm.s32 $0xFFFFFFFF;
	p2 =	slt.u32 s8, $0xFFFFF086  }
0x1c: {  	p1 =	slt.u32 s9, $0xF7A;
	s5 =	simm.s32 @!p2 $0x0  }
0x1d: {  	s5 =	simm.s32 @p1 $0x1;
	p0 =	seq.s32 s7, s2  }
0x1e: {  	s7 =	smul.u32 @!p0 $0xF7A, s2;
	p2 =	seq.s32 @!p0 s5, $0x0  }
0x1f: {  	s9 =	smul.u32 $0xF7A, s1;
	s8 =	simm.s32 @!p0 $0x1BF5;
	p2 =	por !p2, p0  }
0x20: {  	[sflag:s8] =	ssyncset.s32 @!p0 $0xFFFFF086;
	s6 =	sadd.s32 @!p0 s3, s7;
	s7 =	simm.s32 @!p0 $0x108  }
0x21: {  	s3 =	sadd.s32 s3, s9;
	s6 =	sadd.s32 @!p0 $0x88, s6;
	s7 =	simm.s32 @p2 $0x1082  }
0x22: {  	[simem:s7], [sflag:s8] =	dma.local @!p0 [hbm:s6], $0xF7A  }
0x23: {  	s9 =	sor.u32 $0xD0000000, s2;
	s6 =	simm.s32 $0x108;
	_ =	swait.ge @!p0 [sflag:s8], $0x0  }
0x24: {  	s3 =	sadd.s32 $0x88, s3;
	s6 =	simm.s32 @!p1 $0x1082;
	[sflag:s4] =	ssyncset.s32 $0xFFFFF086  }
0x25: {  	[simem:s6], [sflag:s4] =	dma.local [hbm:s3], $0xF7A  }
0x26: {  	[smem:$0x3F9E] =	sst s1;
	(tag) =	ssettag s2;
	_ =	strace s9  }
0x27: {  	s1 =	sld [smem:$0x3FAE]  }
0x28: {  	s2 =	sld [smem:$0x3FAF]  }
0x29: {  	s4 =	sld [smem:$0x3FB1]  }
0x2a: {  	p0 =	seq.s32 s5, $0x0;
	s5 =	sld [smem:$0x3FB2]  }
0x2b: {  	s6 =	sld [smem:$0x3FB3]  }
0x2c: {  	s7 =	sld [smem:$0x3FB4]  }
0x2d: {  	s3 =	simm.s32 $0x108;
	s8 =	sld [smem:$0x3FB5]  }
0x2e: {  	s3 =	simm.s32 @!p0 $0x1082;
	s9 =	sld [smem:$0x3FB6]  }
0x2f: {  	lr =	sadd.s32 s0, s3;
	s0 =	sld [smem:$0x3FAD]  }
0x30: {  	s3 =	sld [smem:$0x3FB0]  }
0x31: {  	[smem:$0x3FB9] =	sst s10  }
0x32: {  	s10 =	sld [smem:$0x3FB7];
	_ =	sdelay $0x3  }
0x33: {  	p0 =	seq.s32 s10, $0x1;
	s10 =	sld [smem:$0x3FB9];
	_ =	sdelay $0x3  }
0x34: {  	[smem:$0x3FB9] =	sst s10  }
0x35: {  	s10 =	sld [smem:$0x3FB8];
	_ =	sdelay $0x3  }
0x36: {  	p1 =	seq.s32 s10, $0x1;
	s10 =	sld [smem:$0x3FB9];
	_ =	sdelay $0x3  }
0x37: {  	[smem:$0x3FB9] =	sst s10  }
0x38: {  	s10 =	sld [smem:$0x3FBA]  }
0x39: {  	_ = 	snop;
	(pc) =	sbr.ind lr, $3  }
0x3a: {  	_ = 	snop  }
0x3b: {  	_ = 	snop  }
0x3c: {  	p2 =	seq.s32 s10, $0x1;
	s10 =	sld [smem:$0x3FB9]  }
0x3d: {  	_ =	shalt  }
0x3e: {  	_ =	shalt  }
0x3f: {  	_ =	shalt  }
0x40: {  	_ =	shalt  }
0x41: {  	_ =	shalt  }
0x42: {  	_ =	shalt  }
0x43: {  	_ =	shalt  }
0x44: {  	_ =	shalt  }
0x45: {  	_ =	shalt  }
0x46: {  	_ =	shalt  }
0x47: {  	_ =	shalt  }
0x48: {  	_ =	shalt  }
0x49: {  	_ =	shalt  }
0x4a: {  	_ =	shalt  }
0x4b: {  	_ =	shalt  }
0x4c: {  	_ =	shalt  }
0x4d: {  	_ =	shalt  }
0x4e: {  	_ =	shalt  }
0x4f: {  	_ =	shalt  }
0x50: {  	_ =	shalt  }
0x51: {  	_ =	shalt  }
0x52: {  	_ =	shalt  }
0x53: {  	_ =	shalt  }
0x54: {  	_ =	shalt  }
0x55: {  	_ =	shalt  }
0x56: {  	_ =	shalt  }
0x57: {  	_ =	shalt  }
0x58: {  	_ =	shalt  }
0x59: {  	_ =	shalt  }
0x5a: {  	_ =	shalt  }
0x5b: {  	_ =	shalt  }
0x5c: {  	_ =	shalt  }
0x5d: {  	_ =	shalt  }
0x5e: {  	_ =	shalt  }
0x5f: {  	_ =	shalt  }
0x60: {  	_ =	shalt  }
0x61: {  	_ =	shalt  }
0x62: {  	_ =	shalt  }
0x63: {  	_ =	shalt  }
0x64: {  	_ =	shalt  }
0x65: {  	_ =	shalt  }
0x66: {  	_ =	shalt  }
0x67: {  	_ =	shalt  }
0x68: {  	_ =	shalt  }
0x69: {  	_ =	shalt  }
0x6a: {  	_ =	shalt  }
0x6b: {  	_ =	shalt  }
0x6c: {  	_ =	shalt  }
0x6d: {  	_ =	shalt  }
0x6e: {  	_ =	shalt  }
0x6f: {  	_ =	shalt  }
0x70: {  	_ =	shalt  }
0x71: {  	_ =	shalt  }
0x72: {  	_ =	shalt  }
0x73: {  	_ =	shalt  }
0x74: {  	_ =	shalt  }
0x75: {  	_ =	shalt  }
0x76: {  	_ =	shalt  }
0x77: {  	_ =	shalt  }
0x78: {  	_ =	shalt  }
0x79: {  	_ =	shalt  }
0x7a: {  	_ =	shalt  }
0x7b: {  	_ =	shalt  }
0x7c: {  	_ =	shalt  }
0x7d: {  	_ =	shalt  }
0x7e: {  	_ =	shalt  }
0x7f: {  	_ =	shalt  }
0x80: {  	_ =	shalt  }
0x81: {  	_ =	shalt  }
0x82: {  	_ =	shalt  }
0x83: {  	_ =	shalt  }
0x84: {  	_ =	shalt  }
0x85: {  	_ =	shalt  }
0x86: {  	_ =	shalt  }
0x87: {  	_ =	shalt  }
.Lfunc_end0:
.L_simem_size_0:
called_computation_lowered:
.L_overlay_start_0:
0x88: {  	s2 =	sld [smem:$0x3FD9]  }
0x89: {  	s3 =	sld [smem:$0x3FFE];
	_ =	sdelay $0x1  }
0x8a: {  	s1 =	srdreg.scid  }
0x8b: {  	s0 =	sand.u32 $0x1, s1  }
0x8c: {  	s17 =	sshll.u32 s0, $0xA;
	s2 =	sadd.s32 s3, s2  }
0x8d: {  	s2 =	sadd.s32 s2, s17  }
0x8e: {  	[smem:$0x3FC5] =	sst s2  }
0x8f: {  	_ = 	snop  }
0x90: {  	s2 =	sld [smem:$0x3FD0];
	(tm) =	ssettm $0x1  }
0x91: {  	s18 =	sld [smem:$0x3FFB];
	_ =	sdelay $0x3  }
0x92: {  	_ =	strace s18  }
0x93: {  	s3 =	sld [smem:$0x3FFC];
	_ =	sdelay $0x3  }
0x94: {  	_ =	strace s3  }
0x95: {  	s3 =	sld [smem:$0x3FFD];
	_ =	sdelay $0x3  }
0x96: {  	_ =	strace s3  }
0x97: {  	_ =	strace $0x8FFFFFFF  }
0x98: {  	s19 =	sld [smem:$0x3FDB];
	_ =	sdelay $0x1  }
0x99: {  	s4 =	simm.s32 $_scs_section_size  }
0x9a: {  	s5 =	simm.s32 $_size__tile_overlayer_lowered;
	s6 =	simm.s32 $_tile_overlayer_lowered  }
0x9b: {  	s22 =	simm.s32 $0x1BFF;
	s21 =	sshll.u32 s6, $0x1;
	s3 =	sadd.s32 s4, s19  }
0x9c: {  	s7 =	simm.s32 $0x0;
	s20 =	sshll.u32 s5, $0x1;
	s5 =	sadd.s32 s21, s3  }
0x9d: {  	[timem:s7], [sflag:s22] =	dma.local [hbm:s5], s20  }
0x9e: {  	_ =	swait.ge [sflag:s22], s20  }
0x9f: {  	s4 =	ssub.s32 $0x0, s20;
	[sflag:s22] =	ssyncset.done $0x0  }
0xa0: {  	[sflag:s22] =	ssyncadd.s32 s4;
	_ =	sdelay $0x1  }
0xa1: {  	s23 =	simm.s32 $0x1B8B  }
0xa2: {  	_ =	swait.ge [sflag:s23], $0x1  }
0xa3: {  	[sflag:s23] =	ssyncset.done $0x0  }
0xa4: {  	s25 =	simm.s32 $0x1B8E;
	s24 =	sld [smem:$0x3FFE];
	[sflag:s23] =	ssyncadd.s32 $0xFFFFFFFF  }
0xa5: {  	s26 =	simm.s32 $execute0_lowered;
	[smem:$0x3FD2] =	sst s25  }
0xa6: {  	s5 =	sshll.u32 s26, $0x1;
	_ =	strace $0x80000046;
	[dreg:$0x1] =	wrdreg $0xFFFFFFFF  }
0xa7: {  	s28 =	simm.s32 $_size_execute0_lowered;
	s3 =	sadd.s32 s3, s5;
	[dreg:$0x0] =	wrdreg $0x0  }
0xa8: {  	s5 =	sshll.u32 s28, $0x1;
	[dreg:$0x2] =	wrdreg s3  }
0xa9: {  	[dreg:$0x3] =	wrdreg s5  }
0xaa: {  	[dreg:$0x4] =	wrdreg $0xC0  }
0xab: {  	_ =	task [dreg:s7], $0x5FFFF  }
0xac: {  	[dreg:$0x1] =	wrdreg $0xFFFFFFFF  }
0xad: {  	[dreg:$0x0] =	wrdreg $0x60  }
0xae: {  	[dreg:$0x2] =	wrdreg s24  }
0xaf: {  	[dreg:$0x3] =	wrdreg s2  }
0xb0: {  	[dreg:$0x4] =	wrdreg $0x9  }
0xb1: {  	_ =	task.clear_ibuf [dreg:s7], $0x5FFFF;
	_ =	strace $0x90000046  }
0xb2: {  	s29 =	simm.s32 $0x9;
	_ =	strace $0x80000048  }
0xb3: {  	_ =	swait.ge [sflag:s29], $0x1  }
0xb4: {  	[sflag:s29] =	ssyncadd.s32 $0xFFFFFFFF  }
0xb5: {  	_ =	strace $0x90000048  }
0xb6: {  	_ =	sfence  }
0xb7: {  	s30 =	sld [smem:$0x0];
	_ =	sdelay $0x2  }
0xb8: {  	s31 =	sshll.u32 s1, $0xD;
	s1 =	sshrl.u32 s1, $0x2  }
0xb9: {  	s3 =	sand.u32 $0x4000, s31;
	s1 =	sadd.s32 s1, s30  }
0xba: {  	s0 =	sor.u32 s3, s0;
	s1 =	sshll.u32 s1, $0x11  }
0xbb: {  	s0 =	sor.u32 s1, s0  }
0xbc: {  	s0 =	sadd.s32 $0x8F2B, s0  }
0xbd: {  	[sflag:s0] =	ssyncadd.remote.s32 $0x1  }
0xbe: {  	_ =	sfence.sel $0xFFFF  }
0xbf: {  	[dreg:$0x0] =	wrdreg $0xFFFFFFFF;
	(pc) =	sbr.abs _section_cstart, $3  }
0xc0: {  	[dreg:$0x1] =	wrdreg $0xFFFFFFFF  }
0xc1: {  	_ =	task.clear_ibuf [dreg:s7], $0x2FFFF;
	_ =	strace $0x9FFFFFFF  }
0xc2: {  	(tm) =	ssettm $0x7FFFFFFF  }
0xc3: {  	_ =	shalt  }
tec
execute0_lowered:
.L_overlay_start_1:
0x0: {  	(tag) =	ssettag $0x1  }
0x1: {  	v0 =	vimm.s32 $0xFEDCBA98;
	v1 =	vimm.s32 $0x76543210  }
0x2: {  	s0 =	rddreg [dreg:$0x0];
	v2 =	vimm.s32 $0xBA98FEDC;
	v3 =	vimm.s32 $0x32107654;
	v4 =	vimm.s32 $0xDCFE98BA  }
0x3: {  	s2 =	rddreg [dreg:$0x1];
	s1 =	simm.s32 $0x0;
	v5 =	vimm.s32 $0x54761032;
	v6 =	vimm.s32 $0xEFCDAB89;
	v7 =	vimm.s32 $0x67452301  }
0x4: {  	s3 =	srdreg.scid;
	s4 =	stileid.u32;
	s10 =	simm.s32 $0x2;
	vm0 =	vmmov $0x1;
	vm1 =	vmmov $0x3;
	vm2 =	vmmov $0x7  }
0x5: {  	s11 =	simm.s32 $0x200;
	s12 =	simm.s32 $0x400;
	s13 =	simm.s32 $0x80;
	vm3 =	vmmov $0xf;
	vm4 =	vmmov $0x1f;
	vm5 =	vmmov $0x3f  }
0x6: {  	s21 =	simm.s32 $0x9600;
	s22 =	simm.s32 $0x100;
	s23 =	simm.s32 $0x2600;
	vm6 =	vmmov $0x7f;
	vm7 =	vmmov $0xff;
	vm8 =	vmmov $0x1ff  }
0x7: {  	s24 =	simm.s32 $0x300;
	s28 =	simm.s32 $0xA600;
	s29 =	simm.s32 $0x180;
	vm9 =	vmmov $0x3ff;
	vm10 =	vmmov $0x7ff;
	vm11 =	vmmov $0xfff  }
0x8: {  	s30 =	simm.s32 $0x3600;
	s31 =	simm.s32 $0x380;
	s14 =	simm.s32 $0xB600;
	v0 =	vunpack.c.l.s4.s8 v0;
	v1 =	vunpack.c.l.s4.s8 v1;
	v2 =	vunpack.c.l.s4.s8 v2  }
0x9: {  	s15 =	simm.s32 $0x1;
	s16 =	simm.s32 $0xC600;
	s17 =	simm.s32 $0x0;
	v3 =	vunpack.c.l.s4.s8 v3;
	v4 =	vunpack.c.l.s4.s8 v4;
	v5 =	vunpack.c.l.s4.s8 v5  }
0xa: {  	[smem:$0x7FF] =	sst s1;
	s3 =	sand.u32 $0x1, s3;
	s4 =	sshll.u32 s4, $0x7;
	v6 =	vunpack.c.l.s4.s8 v6;
	v7 =	vunpack.c.l.s4.s8 v7;
	v0 =	vunpack.c.0.s8.s32 v0  }
0xb: {  	s5 =	sshll.u32 s3, $0x6;
	_ =	strace $0x80000047;
	s25 =	ssub.s32 $0x2, s3;
	v2 =	vunpack.c.0.s8.s32 v2;
	v3 =	vunpack.c.0.s8.s32 v3;
	v4 =	vunpack.c.0.s8.s32 v4  }
0xc: {  	s3 =	sadd.s32 $0xF44200, s0;
	s8 =	sor.u32 s5, s4;
	s26 =	sshrl.u32 s25, $0x1;
	v5 =	vunpack.c.0.s8.s32 v5;
	v6 =	vunpack.c.0.s8.s32 v6;
	v7 =	vunpack.c.0.s8.s32 v7  }
0xd: {  	vm12 =	vmmov $0x1fff;
	s4 =	sadd.s32 $0x1314C00, s0;
	v1 =	vunpack.c.0.s8.s32 v1;
	s7 =	sadd.s32 s8, s0;
	s0 =	ssub.s32 s25, s26;
	v2 =	vcombine.low v3, v2  }
0xe: {  	s8 =	sadd.s32 s2, s8;
	s25 =	simm.s32 $0x6600;
	s26 =	simm.s32 $0x500;
	v3 =	vcombine.low v5, v4;
	v4 =	vcombine.low v7, v6;
	v0 =	vand.u32 $0xF, v0  }
0xf: {  	vm13 =	vmmov $0x3fff;
	vm14 =	vmmov $0x7fff;
	s2 =	simm.s32 $0x7600;
	s5 =	sadd.s32 $0x1600, s7;
	s6 =	sadd.s32 $0xE00, s7;
	v0 =	vcombine.low v0, v1  }
0x10: {  	s7 =	sadd.s32 $0x600, s7;
	s9 =	smax.u32 s0, $0x1;
	s0 =	simm.s32 $0x580;
	v1 =	vand.u32 $0xF, v2;
	v2 =	vand.u32 $0xF, v3;
	v3 =	vand.u32 $0xF, v4  }
.LBB2_1:
0x11: {  	[tilespmem:s1], [sflag:$0x2] =	stream.linear.gather [hbm4b:s5+s1], $0x200, $0x38;
	[tilespmem:$0xC800] =	vst v63  }
0x12: {  	_ =	swait.ge [sflag:s10], $0x200  }
0x13: {  	[sflag:s10] =	ssyncset.done $0x0  }
0x14: {  	[sflag:s10] =	ssyncadd.s32 $0xFFFFFE00  }
0x15: {  	[tilespmem:s11], [sflag:$0x2] =	stream.linear.gather [hbm4b:s6+s1], $0x200, $0x38;
	[tilespmem:$0xC800] =	vst v63  }
0x16: {  	_ =	swait.ge [sflag:s10], $0x200  }
0x17: {  	[sflag:s10] =	ssyncset.done $0x0  }
0x18: {  	[sflag:s10] =	ssyncadd.s32 $0xFFFFFE00  }
0x19: {  	[tilespmem:s12], [sflag:$0x2] =	stream.linear.gather [hbm4b:s7+s1], $0x200, $0x38;
	[tilespmem:$0xC800] =	vst v63  }
0x1a: {  	_ =	swait.ge [sflag:s10], $0x200  }
0x1b: {  	[sflag:s10] =	ssyncset.done $0x0  }
0x1c: {  	s18 =	simm.s32 $0x600;
	[sflag:s10] =	ssyncadd.s32 $0xFFFFFE00  }
0x1d: {  	[tilespmem:s18], [sflag:$0x1] =	stream.indirect.gather [hbm4b:s3+s13], $0x20, s1, s13, $0xb8;
	[tilespmem:$0xC800] =	vst v63  }
0x1e: {  	s19 =	simm.s32 $0x4600  }
0x1f: {  	[tilespmem:s19], [sflag:$0x1] =	stream.indirect.gather [hbm4b:s4+s13], $0x20, s11, s13, $0xb8;
	[tilespmem:$0xC800] =	vst v63  }
0x20: {  	s20 =	simm.s32 $0x8600  }
0x21: {  	[tilespmem:s20], [sflag:$0x1] =	stream.indirect.gather [hbm4b:s4+s13], $0x20, s12, s13, $0xb8;
	[tilespmem:$0xC800] =	vst v63  }
0x22: {  	s19 =	simm.s32 $0x1600  }
0x23: {  	[tilespmem:s19], [sflag:$0x1] =	stream.indirect.gather [hbm4b:s3+s13], $0x20, s13, s13, $0xb8;
	[tilespmem:$0xC800] =	vst v63  }
0x24: {  	s20 =	simm.s32 $0x280;
	s19 =	simm.s32 $0x5600  }
0x25: {  	[tilespmem:s19], [sflag:$0x1] =	stream.indirect.gather [hbm4b:s4+s13], $0x20, s20, s13, $0xb8;
	[tilespmem:$0xC800] =	vst v63  }
0x26: {  	s19 =	simm.s32 $0x480  }
0x27: {  	[tilespmem:s21], [sflag:$0x1] =	stream.indirect.gather [hbm4b:s4+s13], $0x20, s19, s13, $0xb8;
	[tilespmem:$0xC800] =	vst v63  }
0x28: {  	_ = 	snop  }
0x29: {  	[tilespmem:s23], [sflag:$0x1] =	stream.indirect.gather [hbm4b:s3+s13], $0x20, s22, s13, $0xb8;
	[tilespmem:$0xC800] =	vst v63  }
0x2a: {  	_ = 	snop  }
0x2b: {  	[tilespmem:s25], [sflag:$0x1] =	stream.indirect.gather [hbm4b:s4+s13], $0x20, s24, s13, $0xb8;
	[tilespmem:$0xC800] =	vst v63  }
0x2c: {  	_ = 	snop  }
0x2d: {  	[tilespmem:s28], [sflag:$0x1] =	stream.indirect.gather [hbm4b:s4+s13], $0x20, s26, s13, $0xb8;
	[tilespmem:$0xC800] =	vst v63  }
0x2e: {  	_ = 	snop  }
0x2f: {  	[tilespmem:s30], [sflag:$0x1] =	stream.indirect.gather [hbm4b:s3+s13], $0x20, s29, s13, $0xb8;
	[tilespmem:$0xC800] =	vst v63  }
0x30: {  	_ = 	snop  }
0x31: {  	[tilespmem:s2], [sflag:$0x1] =	stream.indirect.gather [hbm4b:s4+s13], $0x20, s31, s13, $0xb8;
	[tilespmem:$0xC800] =	vst v63  }
0x32: {  	_ = 	snop  }
0x33: {  	[tilespmem:s14], [sflag:$0x1] =	stream.indirect.gather [hbm4b:s4+s13], $0x20, s0, s13, $0xb8;
	[tilespmem:$0xC800] =	vst v63  }
0x34: {  	_ =	swait.ge [sflag:s15], $0x1000  }
0x35: {  	[sflag:s15] =	ssyncset.done $0x0  }
0x36: {  	[sflag:s15] =	ssyncadd.s32 $0xFFFFF000  }
0x37: {  	_ =	swait.ge [sflag:s15], $0x1000  }
0x38: {  	[sflag:s15] =	ssyncset.done $0x0  }
0x39: {  	[sflag:s15] =	ssyncadd.s32 $0xFFFFF000  }
0x3a: {  	_ =	swait.ge [sflag:s15], $0x1000  }
0x3b: {  	[sflag:s15] =	ssyncset.done $0x0  }
0x3c: {  	[sflag:s15] =	ssyncadd.s32 $0xFFFFF000  }
0x3d: {  	_ =	swait.ge [sflag:s15], $0x1000  }
0x3e: {  	[sflag:s15] =	ssyncset.done $0x0  }
0x3f: {  	[sflag:s15] =	ssyncadd.s32 $0xFFFFF000  }
0x40: {  	_ =	swait.ge [sflag:s15], $0x1000  }
0x41: {  	[sflag:s15] =	ssyncset.done $0x0  }
0x42: {  	[sflag:s15] =	ssyncadd.s32 $0xFFFFF000  }
0x43: {  	_ =	swait.ge [sflag:s15], $0x1000  }
0x44: {  	[sflag:s15] =	ssyncset.done $0x0  }
0x45: {  	[sflag:s15] =	ssyncadd.s32 $0xFFFFF000  }
0x46: {  	_ =	swait.ge [sflag:s15], $0x1000  }
0x47: {  	[sflag:s15] =	ssyncset.done $0x0  }
0x48: {  	[sflag:s15] =	ssyncadd.s32 $0xFFFFF000  }
0x49: {  	_ =	swait.ge [sflag:s15], $0x1000  }
0x4a: {  	[sflag:s15] =	ssyncset.done $0x0  }
0x4b: {  	[sflag:s15] =	ssyncadd.s32 $0xFFFFF000  }
0x4c: {  	_ =	swait.ge [sflag:s15], $0x1000  }
0x4d: {  	[sflag:s15] =	ssyncset.done $0x0  }
0x4e: {  	[sflag:s15] =	ssyncadd.s32 $0xFFFFF000  }
0x4f: {  	_ =	swait.ge [sflag:s15], $0x1000  }
0x50: {  	[sflag:s15] =	ssyncset.done $0x0  }
0x51: {  	[sflag:s15] =	ssyncadd.s32 $0xFFFFF000  }
0x52: {  	_ =	swait.ge [sflag:s15], $0x1000  }
0x53: {  	[sflag:s15] =	ssyncset.done $0x0  }
0x54: {  	[sflag:s15] =	ssyncadd.s32 $0xFFFFF000  }
0x55: {  	_ =	swait.ge [sflag:s15], $0x1000  }
0x56: {  	[sflag:s15] =	ssyncset.done $0x0  }
0x57: {  	s20 =	simm.s32 $0x0;
	[sflag:s15] =	ssyncadd.s32 $0xFFFFF000  }
0x58: {  	v4 =	vld [tilespmem:s20+$0x7E0]  }
0x59: {  	v5 =	vld [tilespmem:s20+$0x7F0]  }
0x5a: {  	v6 =	vld [tilespmem:s20+$0x7C0]  }
0x5b: {  	v7 =	vld [tilespmem:s20+$0x7D0]  }
0x5c: {  	v8 =	vld [tilespmem:s20+$0x47E0]  }
0x5d: {  	v9 =	vld [tilespmem:s20+$0x87E0]  }
0x5e: {  	v10 =	vld [tilespmem:s20+$0x47F0]  }
0x5f: {  	v11 =	vld [tilespmem:s20+$0x87F0]  }
0x60: {  	v12 =	vld [tilespmem:s20+$0x7A0]  }
0x61: {  	v13 =	vld [tilespmem:s20+$0x7B0]  }
0x62: {  	v14 =	vld [tilespmem:s20+$0x47C0]  }
0x63: {  	v15 =	vld [tilespmem:s20+$0x87C0]  }
0x64: {  	v16 =	vld [tilespmem:s20+$0x47D0]  }
0x65: {  	v17 =	vld [tilespmem:s20+$0x87D0]  }
0x66: {  	v18 =	vld [tilespmem:s20+$0x780]  }
0x67: {  	v19 =	vld [tilespmem:s20+$0x790]  }
0x68: {  	v20 =	vld [tilespmem:s20+$0x47A0]  }
0x69: {  	v21 =	vld [tilespmem:s20+$0x87A0]  }
0x6a: {  	v22 =	vld [tilespmem:s20+$0x47B0]  }
0x6b: {  	v23 =	vld [tilespmem:s20+$0x87B0]  }
0x6c: {  	v24 =	vld [tilespmem:s20+$0x760]  }
0x6d: {  	v25 =	vld [tilespmem:s20+$0x770]  }
0x6e: {  	v26 =	vld [tilespmem:s20+$0x4780]  }
0x6f: {  	v27 =	vld [tilespmem:s20+$0x8780]  }
0x70: {  	v28 =	vld [tilespmem:s20+$0x4790]  }
0x71: {  	v29 =	vld [tilespmem:s20+$0x8790]  }
0x72: {  	v30 =	vld [tilespmem:s20+$0x740]  }
0x73: {  	v31 =	vld [tilespmem:s20+$0x750]  }
0x74: {  	v32 =	vld [tilespmem:s20+$0x4760]  }
0x75: {  	v33 =	vld [tilespmem:s20+$0x8760]  }
0x76: {  	v34 =	vld [tilespmem:s20+$0x4770]  }
0x77: {  	v35 =	vld [tilespmem:s20+$0x8770]  }
0x78: {  	v36 =	vld [tilespmem:s20+$0x720]  }
0x79: {  	v37 =	vld [tilespmem:s20+$0x730]  }
0x7a: {  	v38 =	vld [tilespmem:s20+$0x4740]  }
0x7b: {  	v39 =	vld [tilespmem:s20+$0x8740]  }
0x7c: {  	v40 =	vld [tilespmem:s20+$0x4750]  }
0x7d: {  	v41 =	vld [tilespmem:s20+$0x8750]  }
0x7e: {  	v42 =	vld [tilespmem:s20+$0x700]  }
0x7f: {  	v43 =	vld [tilespmem:s20+$0x710]  }
0x80: {  	v44 =	vld [tilespmem:s20+$0x4720]  }
0x81: {  	v45 =	vld [tilespmem:s20+$0x8720]  }
0x82: {  	v46 =	vld [tilespmem:s20+$0x4730]  }
0x83: {  	v47 =	vld [tilespmem:s20+$0x8730]  }
0x84: {  	v48 =	vld [tilespmem:s20+$0x6E0]  }
0x85: {  	v49 =	vld [tilespmem:s20+$0x6F0]  }
0x86: {  	v50 =	vld [tilespmem:s20+$0x4700]  }
0x87: {  	v51 =	vld [tilespmem:s20+$0x8700]  }
0x88: {  	v52 =	vld [tilespmem:s20+$0x4710]  }
0x89: {  	v53 =	vld [tilespmem:s20+$0x8710]  }
0x8a: {  	v54 =	vld [tilespmem:s20+$0x6C0]  }
0x8b: {  	v55 =	vld [tilespmem:s20+$0x8680]  }
0x8c: {  	v8 =	vsub.f32 v8, v9;
	v9 =	vsub.f32 v10, v11;
	v11 =	vld [tilespmem:s20+$0x6D0]  }
0x8d: {  	v10 =	vsub.f32 v14, v15;
	v14 =	vld [tilespmem:s20+$0x46E0]  }
0x8e: {  	v15 =	vsub.f32 v16, v17;
	v16 =	vld [tilespmem:s20+$0x86E0]  }
0x8f: {  	v17 =	vld [tilespmem:s20+$0x46F0]  }
0x90: {  	v32 =	vsub.f32 v32, v33;
	v34 =	vsub.f32 v34, v35;
	v35 =	vld [tilespmem:s20+$0x4660]  }
0x91: {  	v63 =	vsub.f32 v38, v39;
	v44 =	vsub.f32 v44, v45;
	v33 =	vld [tilespmem:s20+$0x8660]  }
0x92: {  	v45 =	vsub.f32 v40, v41;
	v50 =	vsub.f32 v50, v51;
	v39 =	vld [tilespmem:s20+$0x4640]  }
0x93: {  	v51 =	vsub.f32 v46, v47;
	v40 =	vld [tilespmem:s20+$0x8600];
	v4 =	vmul.f32 v8, v4;
	v5 =	vmul.f32 v9, v5  }
0x94: {  	v56 =	vsub.f32 v52, v53;
	v52 =	vld [tilespmem:s20+$0x8620];
	v6 =	vmul.f32 v10, v6;
	v7 =	vmul.f32 v15, v7  }
0x95: {  	v8 =	vsub.f32 v20, v21;
	v15 =	vld [tilespmem:s20+$0x86F0];
	v24 =	vmul.f32 v32, v24;
	v25 =	vmul.f32 v34, v25  }
0x96: {  	v9 =	vsub.f32 v22, v23;
	v22 =	vld [tilespmem:s20+$0x46A0];
	v30 =	vmul.f32 v63, v30;
	v32 =	vmul.f32 v44, v36  }
0x97: {  	v10 =	vsub.f32 v26, v27;
	v27 =	vld [tilespmem:s20+$0x86B0];
	v31 =	vmul.f32 v45, v31;
	v57 =	vmul.f32 v50, v42  }
0x98: {  	v20 =	vsub.f32 v28, v29;
	v28 =	vld [tilespmem:s20+$0x660];
	v37 =	vmul.f32 v51, v37;
	v8 =	vmul.f32 v8, v12  }
0x99: {  	v34 =	vld [tilespmem:s20+$0x640];
	v12 =	vmul.f32 v9, v13;
	v4 =	vadd.f32 v5, v4;
	v6 =	vadd.f32 v7, v6  }
0x9a: {  	v36 =	vld [tilespmem:s20+$0x610];
	v5 =	vmul.f32 v10, v18;
	v24 =	vadd.f32 v25, v24;
	v32 =	vadd.f32 v37, v32  }
0x9b: {  	v63 =	vld [tilespmem:s20+$0x8610];
	v13 =	vmul.f32 v20, v19;
	v30 =	vadd.f32 v31, v30;
	v14 =	vsub.f32 v14, v16  }
0x9c: {  	v18 =	vld [tilespmem:s20+$0x86C0];
	v16 =	vmul.f32 v56, v43;
	v33 =	vsub.f32 v35, v33;
	v7 =	vadd.f32 v12, v8  }
0x9d: {  	v20 =	vld [tilespmem:s20+$0x46D0];
	v8 =	vperm.xlane v4, v0;
	v5 =	vadd.f32 v13, v5;
	v13 =	vperm.xlane v6, v0  }
0x9e: {  	v12 =	vld [tilespmem:s20+$0x46C0];
	v31 =	vperm.xlane v24, v0;
	v58 =	vperm.xlane v32, v0;
	v15 =	vsub.f32 v17, v15  }
0x9f: {  	v25 =	vld [tilespmem:s20+$0x4670];
	v14 =	vmul.f32 v14, v48;
	v16 =	vadd.f32 v16, v57;
	v28 =	vmul.f32 v33, v28  }
0xa0: {  	v17 =	vld [tilespmem:s20+$0x8670];
	v19 =	vperm.xlane v7, v0;
	v4 =	vadd.f32 v4, v8;
	v21 =	vperm.xlane v5, v0  }
0xa1: {  	v6 =	vadd.f32 v6, v13;
	v13 =	vld [tilespmem:s20+$0x86D0];
	v32 =	vadd.f32 v32, v58;
	v15 =	vmul.f32 v15, v49  }
0xa2: {  	v9 =	vld [tilespmem:s20+$0x6A0];
	v7 =	vadd.f32 v7, v19;
	v19 =	vperm.xlane v4, v1;
	v5 =	vadd.f32 v5, v21  }
0xa3: {  	v10 =	vld [tilespmem:s20+$0x6B0];
	v21 =	vperm.xlane v6, v1;
	v12 =	vsub.f32 v12, v18;
	v18 =	vperm.xlane v30, v0  }
0xa4: {  	v37 =	vld [tilespmem:s20+$0x600];
	v14 =	vadd.f32 v15, v14;
	v15 =	vperm.xlane v16, v0;
	v23 =	vperm.xlane v7, v1  }
0xa5: {  	v56 =	vld [tilespmem:s20+$0x4630];
	v4 =	vadd.f32 v4, v19;
	v26 =	vperm.xlane v5, v1;
	v6 =	vadd.f32 v6, v21  }
0xa6: {  	v8 =	vld [tilespmem:s20+$0x680];
	v17 =	vsub.f32 v25, v17;
	v13 =	vsub.f32 v20, v13;
	v12 =	vmul.f32 v12, v54  }
0xa7: {  	v19 =	vld [tilespmem:s20+$0x86A0];
	v18 =	vadd.f32 v30, v18;
	v7 =	vadd.f32 v7, v23;
	v23 =	vperm.xlane v4, v2  }
0xa8: {  	v21 =	vld [tilespmem:s20+$0x46B0];
	v26 =	vadd.f32 v5, v26;
	v5 =	vperm.xlane v6, v2;
	v11 =	vmul.f32 v13, v11  }
0xa9: {  	v58 =	vld [tilespmem:s20+$0x8630];
	v13 =	vadd.f32 v24, v31;
	v31 =	vperm.xlane v14, v0;
	v59 =	vperm.xlane v18, v1  }
0xaa: {  	v49 =	vld [tilespmem:s20+$0x4620];
	v29 =	vperm.xlane v7, v2;
	v4 =	vadd.f32 v4, v23;
	v5 =	vadd.f32 v6, v5  }
0xab: {  	v20 =	vld [tilespmem:s20+$0x620];
	v62 =	vperm.xlane v26, v2;
	v11 =	vadd.f32 v11, v12;
	v12 =	vadd.f32 v16, v15  }
0xac: {  	v24 =	vld [tilespmem:s20+$0x8640];
	v15 =	vperm.xlane v13, v1;
	v14 =	vadd.f32 v14, v31;
	v18 =	vadd.f32 v18, v59  }
0xad: {  	v30 =	vld [tilespmem:s20+$0x4650];
	v31 =	vperm.xlane v32, v1;
	v19 =	vsub.f32 v22, v19;
	v21 =	vsub.f32 v21, v27  }
0xae: {  	v23 =	vld [tilespmem:s20+$0x4680];
	v6 =	vadd.f32 v7, v29;
	v7 =	vadd.f32 v26, v62;
	v60 =	vperm.xlane v11, v0  }
0xaf: {  	v16 =	vld [tilespmem:s20+$0x4600];
	v61 =	vperm.xlane v12, v1;
	v13 =	vadd.f32 v13, v15;
	v62 =	vperm.xlane v14, v1  }
0xb0: {  	v59 =	vld [tilespmem:s20+$0x8650];
	v31 =	vadd.f32 v32, v31;
	v10 =	vmul.f32 v21, v10;
	v21 =	vsub.f32 v49, v52  }
0xb1: {  	v22 =	vld [tilespmem:s20+$0x630];
	v51 =	vperm.xlane v18, v2;
	v24 =	vsub.f32 v39, v24;
	v11 =	vadd.f32 v11, v60  }
0xb2: {  	v15 =	vld [tilespmem:s20+$0x4610];
	v9 =	vmul.f32 v19, v9;
	v12 =	vadd.f32 v12, v61;
	v14 =	vadd.f32 v14, v62  }
0xb3: {  	v29 =	vld [tilespmem:s20+$0x4690];
	v48 =	vperm.xlane v13, v2;
	v18 =	vadd.f32 v18, v51;
	v23 =	vsub.f32 v23, v55  }
0xb4: {  	v26 =	vld [tilespmem:s20+$0x8690];
	v50 =	vperm.xlane v31, v2;
	v61 =	vsub.f32 v56, v58;
	v9 =	vadd.f32 v10, v9  }
0xb5: {  	v60 =	vld [tilespmem:s20+$0x650];
	v20 =	vmul.f32 v21, v20;
	v16 =	vsub.f32 v16, v40;
	v30 =	vsub.f32 v30, v59  }
0xb6: {  	v19 =	vld [tilespmem:s20+$0x670];
	v53 =	vperm.xlane v11, v1;
	v54 =	vperm.xlane v12, v2;
	v13 =	vadd.f32 v13, v48  }
0xb7: {  	v62 =	vld [tilespmem:s20+$0x690];
	v57 =	vperm.xlane v14, v2;
	v21 =	vmul.f32 v61, v22;
	v15 =	vsub.f32 v15, v63  }
0xb8: {  	v31 =	vadd.f32 v31, v50;
	v22 =	vmul.f32 v24, v34;
	v8 =	vmul.f32 v23, v8  }
0xb9: {  	v25 =	vsub.f32 v29, v26;
	v16 =	vmul.f32 v16, v37;
	v15 =	vmul.f32 v15, v36  }
0xba: {  	v11 =	vadd.f32 v11, v53;
	v12 =	vadd.f32 v12, v54;
	v24 =	vmul.f32 v30, v60  }
0xbb: {  	v17 =	vmul.f32 v17, v19;
	v15 =	vadd.f32 v15, v16;
	v16 =	vadd.f32 v21, v20  }
0xbc: {  	v14 =	vadd.f32 v14, v57;
	v19 =	vadd.f32 v24, v22;
	v20 =	vmul.f32 v25, v62  }
0xbd: {  	v17 =	vadd.f32 v17, v28;
	v21 =	vperm.xlane v15, v0;
	v22 =	vperm.xlane v16, v0  }
0xbe: {  	v27 =	vperm.xlane v11, v2;
	v23 =	vperm.xlane v19, v0;
	v8 =	vadd.f32 v20, v8  }
0xbf: {  	v10 =	vadd.f32 v15, v21;
	v15 =	vadd.f32 v16, v22;
	v16 =	vperm.xlane v17, v0  }
0xc0: {  	v19 =	vadd.f32 v19, v23;
	v20 =	vperm.xlane v8, v0;
	v21 =	vperm.xlane v9, v0  }
0xc1: {  	v22 =	vperm.xlane v10, v1;
	v23 =	vperm.xlane v15, v1;
	v16 =	vadd.f32 v17, v16  }
0xc2: {  	v17 =	vperm.xlane v19, v1;
	v8 =	vadd.f32 v8, v20;
	v9 =	vadd.f32 v9, v21  }
0xc3: {  	v10 =	vadd.f32 v10, v22;
	v15 =	vadd.f32 v15, v23;
	v20 =	vperm.xlane v16, v1  }
0xc4: {  	v17 =	vadd.f32 v19, v17;
	v19 =	vperm.xlane v8, v1;
	v21 =	vperm.xlane v9, v1  }
0xc5: {  	v22 =	vperm.xlane v10, v2;
	v23 =	vperm.xlane v15, v2;
	v16 =	vadd.f32 v16, v20  }
0xc6: {  	v20 =	vperm.xlane v17, v2;
	v8 =	vadd.f32 v8, v19;
	v9 =	vadd.f32 v9, v21  }
0xc7: {  	v10 =	vadd.f32 v10, v22;
	v15 =	vadd.f32 v15, v23;
	v19 =	vperm.xlane v16, v2  }
0xc8: {  	v17 =	vadd.f32 v17, v20;
	v20 =	vperm.xlane v8, v2;
	v21 =	vperm.xlane v9, v2  }
0xc9: {  	v22 =	vperm.xlane v10, v3;
	v23 =	vperm.xlane v15, v3;
	v16 =	vadd.f32 v16, v19  }
0xca: {  	v19 =	vperm.xlane v17, v3;
	v8 =	vadd.f32 v8, v20;
	v9 =	vadd.f32 v9, v21  }
0xcb: {  	v10 =	vadd.f32 v10, v22;
	v15 =	vadd.f32 v15, v23;
	v20 =	vperm.xlane v16, v3  }
0xcc: {  	v11 =	vadd.f32 v11, v27;
	v17 =	vadd.f32 v17, v19;
	v19 =	vperm.xlane v8, v3  }
0xcd: {  	v10 =	vsel vm0, v10, v15;
	v15 =	vadd.f32 v16, v20;
	v16 =	vperm.xlane v9, v3  }
0xce: {  	v8 =	vadd.f32 v8, v19;
	v10 =	vsel vm1, v10, v17;
	v17 =	vperm.xlane v11, v3  }
0xcf: {  	v10 =	vsel vm2, v10, v15;
	v9 =	vadd.f32 v9, v16;
	v15 =	vperm.xlane v14, v3  }
0xd0: {  	v8 =	vsel vm3, v10, v8;
	v10 =	vadd.f32 v11, v17;
	v11 =	vperm.xlane v12, v3  }
0xd1: {  	v8 =	vsel vm4, v8, v9;
	v9 =	vadd.f32 v14, v15;
	v14 =	vperm.xlane v31, v3  }
0xd2: {  	v8 =	vsel vm5, v8, v10;
	v10 =	vadd.f32 v12, v11;
	v11 =	vperm.xlane v18, v3  }
0xd3: {  	v12 =	vperm.xlane v13, v3;
	v8 =	vsel vm6, v8, v9;
	v9 =	vadd.f32 v31, v14  }
0xd4: {  	v8 =	vsel vm7, v8, v10;
	v10 =	vadd.f32 v18, v11;
	v11 =	vperm.xlane v7, v3  }
0xd5: {  	v8 =	vsel vm8, v8, v9;
	v9 =	vadd.f32 v13, v12;
	v12 =	vperm.xlane v6, v3  }
0xd6: {  	v8 =	vsel vm9, v8, v10;
	v7 =	vadd.f32 v7, v11;
	v10 =	vperm.xlane v5, v3  }
0xd7: {  	v8 =	vsel vm10, v8, v9;
	v6 =	vadd.f32 v6, v12;
	v9 =	vperm.xlane v4, v3  }
0xd8: {  	v7 =	vsel vm11, v8, v7;
	v5 =	vadd.f32 v5, v10  }
0xd9: {  	v6 =	vsel vm12, v7, v6;
	v4 =	vadd.f32 v4, v9  }
0xda: {  	v5 =	vsel vm13, v6, v5  }
0xdb: {  	v4 =	vsel vm14, v5, v4  }
0xdc: {  	s19 =	simm.s32 $0x200;
	[tilespmem:s16+$0x0] =	vst v4  }
0xdd: {  	v4 =	vld [tilespmem:s19+$0x7E0]  }
0xde: {  	v5 =	vld [tilespmem:s19+$0x7F0]  }
0xdf: {  	v6 =	vld [tilespmem:s19+$0x7C0]  }
0xe0: {  	v7 =	vld [tilespmem:s19+$0x7D0]  }
0xe1: {  	v8 =	vld [tilespmem:s19+$0x47E0]  }
0xe2: {  	v9 =	vld [tilespmem:s19+$0x87E0]  }
0xe3: {  	v10 =	vld [tilespmem:s19+$0x47F0]  }
0xe4: {  	v11 =	vld [tilespmem:s19+$0x87F0]  }
0xe5: {  	v12 =	vld [tilespmem:s19+$0x7A0]  }
0xe6: {  	v13 =	vld [tilespmem:s19+$0x7B0]  }
0xe7: {  	v14 =	vld [tilespmem:s19+$0x47C0]  }
0xe8: {  	v15 =	vld [tilespmem:s19+$0x87C0]  }
0xe9: {  	v16 =	vld [tilespmem:s19+$0x47D0]  }
0xea: {  	v17 =	vld [tilespmem:s19+$0x87D0]  }
0xeb: {  	v18 =	vld [tilespmem:s19+$0x780]  }
0xec: {  	v19 =	vld [tilespmem:s19+$0x790]  }
0xed: {  	v20 =	vld [tilespmem:s19+$0x47A0]  }
0xee: {  	v21 =	vld [tilespmem:s19+$0x87A0]  }
0xef: {  	v22 =	vld [tilespmem:s19+$0x47B0]  }
0xf0: {  	v23 =	vld [tilespmem:s19+$0x87B0]  }
0xf1: {  	v24 =	vld [tilespmem:s19+$0x760]  }
0xf2: {  	v25 =	vld [tilespmem:s19+$0x770]  }
0xf3: {  	v26 =	vld [tilespmem:s19+$0x4780]  }
0xf4: {  	v27 =	vld [tilespmem:s19+$0x8780]  }
0xf5: {  	v28 =	vld [tilespmem:s19+$0x4790]  }
0xf6: {  	v29 =	vld [tilespmem:s19+$0x8790]  }
0xf7: {  	v30 =	vld [tilespmem:s19+$0x740]  }
0xf8: {  	v31 =	vld [tilespmem:s19+$0x750]  }
0xf9: {  	v32 =	vld [tilespmem:s19+$0x4760]  }
0xfa: {  	v33 =	vld [tilespmem:s19+$0x8760]  }
0xfb: {  	v34 =	vld [tilespmem:s19+$0x4770]  }
0xfc: {  	v35 =	vld [tilespmem:s19+$0x8770]  }
0xfd: {  	v36 =	vld [tilespmem:s19+$0x720]  }
0xfe: {  	v37 =	vld [tilespmem:s19+$0x730]  }
0xff: {  	v38 =	vld [tilespmem:s19+$0x4740]  }
0x100: {  	v63 =	vld [tilespmem:s19+$0x8740]  }
0x101: {  	v40 =	vld [tilespmem:s19+$0x4750]  }
0x102: {  	v41 =	vld [tilespmem:s19+$0x8750]  }
0x103: {  	v42 =	vld [tilespmem:s19+$0x700]  }
0x104: {  	v43 =	vld [tilespmem:s19+$0x710]  }
0x105: {  	v44 =	vld [tilespmem:s19+$0x4720]  }
0x106: {  	v45 =	vld [tilespmem:s19+$0x8720]  }
0x107: {  	v46 =	vld [tilespmem:s19+$0x4730]  }
0x108: {  	v47 =	vld [tilespmem:s19+$0x8730]  }
0x109: {  	v48 =	vld [tilespmem:s19+$0x6E0]  }
0x10a: {  	v49 =	vld [tilespmem:s19+$0x6F0]  }
0x10b: {  	v50 =	vld [tilespmem:s19+$0x4700]  }
0x10c: {  	v51 =	vld [tilespmem:s19+$0x8700]  }
0x10d: {  	v52 =	vld [tilespmem:s19+$0x4710]  }
0x10e: {  	v60 =	vld [tilespmem:s19+$0x8710]  }
0x10f: {  	v61 =	vld [tilespmem:s19+$0x6C0]  }
0x110: {  	v62 =	vld [tilespmem:s19+$0x86E0];
	v8 =	vsub.f32 v8, v9  }
0x111: {  	v56 =	vld [tilespmem:s19+$0x46F0];
	v9 =	vsub.f32 v10, v11;
	v10 =	vsub.f32 v14, v15  }
0x112: {  	v57 =	vld [tilespmem:s19+$0x86C0];
	v14 =	vsub.f32 v16, v17;
	v16 =	vsub.f32 v28, v29  }
0x113: {  	v58 =	vld [tilespmem:s19+$0x46D0];
	v29 =	vsub.f32 v34, v35;
	v63 =	vsub.f32 v38, v63  }
0x114: {  	v59 =	vld [tilespmem:s19+$0x86D0];
	v38 =	vsub.f32 v40, v41;
	v39 =	vsub.f32 v46, v47;
	v4 =	vmul.f32 v8, v4  }
0x115: {  	v11 =	vld [tilespmem:s19+$0x6D0];
	v5 =	vmul.f32 v9, v5;
	v8 =	vsub.f32 v20, v21;
	v9 =	vsub.f32 v22, v23  }
0x116: {  	v15 =	vld [tilespmem:s19+$0x46E0];
	v6 =	vmul.f32 v10, v6;
	v10 =	vsub.f32 v26, v27;
	v7 =	vmul.f32 v14, v7  }
0x117: {  	v28 =	vld [tilespmem:s19+$0x86F0];
	v40 =	vsub.f32 v52, v60;
	v8 =	vmul.f32 v8, v12;
	v12 =	vmul.f32 v9, v13  }
0x118: {  	v34 =	vld [tilespmem:s19+$0x8640];
	v4 =	vadd.f32 v5, v4;
	v5 =	vmul.f32 v10, v18;
	v13 =	vmul.f32 v16, v19  }
0x119: {  	v20 =	vld [tilespmem:s19+$0x86B0];
	v25 =	vmul.f32 v29, v25;
	v6 =	vadd.f32 v7, v6;
	v7 =	vadd.f32 v12, v8  }
0x11a: {  	v22 =	vld [tilespmem:s19+$0x4680];
	v30 =	vmul.f32 v63, v30;
	v8 =	vperm.xlane v4, v0;
	v5 =	vadd.f32 v13, v5  }
0x11b: {  	v26 =	vsub.f32 v32, v33;
	v23 =	vld [tilespmem:s19+$0x8680];
	v13 =	vperm.xlane v6, v0;
	v14 =	vperm.xlane v7, v0  }
0x11c: {  	v31 =	vmul.f32 v38, v31;
	v33 =	vld [tilespmem:s19+$0x4640];
	v4 =	vadd.f32 v4, v8;
	v16 =	vperm.xlane v5, v0  }
0x11d: {  	v32 =	vmul.f32 v40, v43;
	v9 =	vld [tilespmem:s19+$0x6A0];
	v6 =	vadd.f32 v6, v13;
	v7 =	vadd.f32 v7, v14  }
0x11e: {  	v10 =	vld [tilespmem:s19+$0x6B0];
	v24 =	vmul.f32 v26, v24;
	v13 =	vperm.xlane v4, v1;
	v5 =	vadd.f32 v5, v16  }
0x11f: {  	v29 =	vsub.f32 v50, v51;
	v19 =	vld [tilespmem:s19+$0x86A0];
	v14 =	vperm.xlane v6, v1;
	v17 =	vperm.xlane v7, v1  }
0x120: {  	v18 =	vld [tilespmem:s19+$0x46B0];
	v31 =	vadd.f32 v31, v30;
	v4 =	vadd.f32 v4, v13;
	v13 =	vperm.xlane v5, v1  }
0x121: {  	v26 =	vld [tilespmem:s19+$0x4660];
	v29 =	vmul.f32 v29, v42;
	v6 =	vadd.f32 v6, v14;
	v7 =	vadd.f32 v7, v17  }
0x122: {  	v30 =	vld [tilespmem:s19+$0x620];
	v15 =	vsub.f32 v15, v62;
	v50 =	vperm.xlane v31, v0;
	v17 =	vadd.f32 v5, v13  }
0x123: {  	v46 =	vsub.f32 v56, v28;
	v28 =	vld [tilespmem:s19+$0x600];
	v5 =	vperm.xlane v6, v2;
	v21 =	vperm.xlane v7, v2  }
0x124: {  	v12 =	vld [tilespmem:s19+$0x46C0];
	v32 =	vadd.f32 v32, v29;
	v38 =	vadd.f32 v31, v50;
	v27 =	vperm.xlane v17, v2  }
0x125: {  	v29 =	vld [tilespmem:s19+$0x610];
	v5 =	vadd.f32 v6, v5;
	v6 =	vadd.f32 v7, v21  }
0x126: {  	v8 =	vld [tilespmem:s19+$0x680];
	v7 =	vadd.f32 v17, v27;
	v27 =	vsub.f32 v44, v45  }
0x127: {  	v15 =	vmul.f32 v15, v48;
	v31 =	vld [tilespmem:s19+$0x4650];
	v56 =	vperm.xlane v38, v1  }
0x128: {  	v16 =	vld [tilespmem:s19+$0x46A0];
	v44 =	vmul.f32 v39, v37;
	v41 =	vmul.f32 v27, v36  }
0x129: {  	v62 =	vadd.f32 v38, v56;
	v38 =	vld [tilespmem:s19+$0x8610];
	v14 =	vperm.xlane v4, v2;
	v45 =	vadd.f32 v25, v24  }
0x12a: {  	v48 =	vmul.f32 v46, v49;
	v49 =	vsub.f32 v58, v59;
	v13 =	vld [tilespmem:s19+$0x660];
	v35 =	vadd.f32 v44, v41  }
0x12b: {  	v12 =	vsub.f32 v12, v57;
	v4 =	vadd.f32 v4, v14;
	v14 =	vld [tilespmem:s19+$0x4690];
	v47 =	vperm.xlane v45, v0  }
0x12c: {  	v51 =	vperm.xlane v32, v0;
	v15 =	vadd.f32 v48, v15;
	v17 =	vld [tilespmem:s19+$0x8690];
	v52 =	vperm.xlane v35, v0  }
0x12d: {  	v11 =	vmul.f32 v49, v11;
	v12 =	vmul.f32 v12, v61;
	v21 =	vld [tilespmem:s19+$0x640];
	v37 =	vadd.f32 v45, v47  }
0x12e: {  	v53 =	vperm.xlane v15, v0;
	v24 =	vld [tilespmem:s19+$0x4670];
	v40 =	vadd.f32 v35, v52  }
0x12f: {  	v11 =	vadd.f32 v11, v12;
	v12 =	vadd.f32 v32, v51;
	v25 =	vld [tilespmem:s19+$0x8670];
	v54 =	vperm.xlane v37, v1  }
0x130: {  	v15 =	vadd.f32 v15, v53;
	v39 =	vld [tilespmem:s19+$0x4620];
	v55 =	vperm.xlane v40, v1  }
0x131: {  	v57 =	vperm.xlane v11, v0;
	v58 =	vperm.xlane v12, v1;
	v27 =	vld [tilespmem:s19+$0x8660];
	v59 =	vadd.f32 v37, v54  }
0x132: {  	v60 =	vperm.xlane v15, v1;
	v36 =	vld [tilespmem:s19+$0x8600];
	v61 =	vadd.f32 v40, v55  }
0x133: {  	v32 =	vadd.f32 v11, v57;
	v42 =	vadd.f32 v12, v58;
	v41 =	vld [tilespmem:s19+$0x4630];
	v11 =	vperm.xlane v59, v2  }
0x134: {  	v63 =	vperm.xlane v62, v2;
	v43 =	vadd.f32 v15, v60;
	v35 =	vld [tilespmem:s19+$0x4600];
	v12 =	vperm.xlane v61, v2  }
0x135: {  	v44 =	vperm.xlane v32, v1;
	v45 =	vperm.xlane v42, v2;
	v37 =	vld [tilespmem:s19+$0x4610];
	v11 =	vadd.f32 v59, v11  }
0x136: {  	s18 =	simm.s32 $0xC600;
	s20 =	simm.s32 $0x1000;
	v46 =	vperm.xlane v43, v2;
	v40 =	vld [tilespmem:s19+$0x8620];
	v15 =	vadd.f32 v61, v12;
	v12 =	vadd.f32 v62, v63  }
.LBB2_2:
0x137: {  	p0 =	sne.s32 s20, $0xF800;
	v47 =	vld [tilespmem:s19+$0x8630];
	v44 =	vadd.f32 v32, v44;
	v32 =	vadd.f32 v42, v45  }
0x138: {  	v16 =	vsub.f32 v16, v19;
	v42 =	vld [tilespmem:s19+$0x8650];
	v19 =	vadd.f32 v43, v46  }
0x139: {  	v22 =	vsub.f32 v22, v23;
	v18 =	vsub.f32 v18, v20;
	v43 =	vld [tilespmem:s19+$0x630];
	v20 =	vperm.xlane v44, v2  }
0x13a: {  	v33 =	vsub.f32 v33, v34;
	v26 =	vsub.f32 v26, v27;
	v9 =	vmul.f32 v16, v9;
	v23 =	vld [tilespmem:s19+$0x650]  }
0x13b: {  	v27 =	vsub.f32 v37, v38;
	v16 =	vsub.f32 v35, v36;
	v10 =	vmul.f32 v18, v10;
	v34 =	vld [tilespmem:s19+$0x670]  }
0x13c: {  	v13 =	vmul.f32 v26, v13;
	v18 =	vsub.f32 v39, v40;
	v35 =	vsub.f32 v41, v47;
	v26 =	vld [tilespmem:s19+$0x690]  }
0x13d: {  	v27 =	vmul.f32 v27, v29;
	v16 =	vmul.f32 v16, v28;
	v28 =	vsub.f32 v31, v42  }
0x13e: {  	v24 =	vsub.f32 v24, v25;
	v18 =	vmul.f32 v18, v30;
	v29 =	vmul.f32 v35, v43  }
0x13f: {  	v14 =	vsub.f32 v14, v17;
	v21 =	vmul.f32 v33, v21;
	v23 =	vmul.f32 v28, v23  }
0x140: {  	v16 =	vadd.f32 v27, v16;
	v17 =	vadd.f32 v29, v18;
	v18 =	vmul.f32 v24, v34  }
0x141: {  	v8 =	vmul.f32 v22, v8;
	v21 =	vadd.f32 v23, v21;
	v14 =	vmul.f32 v14, v26  }
0x142: {  	v22 =	vperm.xlane v16, v0;
	v23 =	vperm.xlane v17, v0;
	v13 =	vadd.f32 v18, v13  }
0x143: {  	v9 =	vadd.f32 v10, v9;
	v18 =	vperm.xlane v21, v0;
	v8 =	vadd.f32 v14, v8  }
0x144: {  	v10 =	vadd.f32 v16, v22;
	v14 =	vadd.f32 v17, v23;
	v16 =	vperm.xlane v13, v0  }
0x145: {  	v17 =	vadd.f32 v21, v18;
	v18 =	vperm.xlane v8, v0;
	v21 =	vperm.xlane v9, v0  }
0x146: {  	v22 =	vperm.xlane v10, v1;
	v23 =	vperm.xlane v14, v1;
	v13 =	vadd.f32 v13, v16  }
0x147: {  	v16 =	vperm.xlane v17, v1;
	v8 =	vadd.f32 v8, v18;
	v9 =	vadd.f32 v9, v21  }
0x148: {  	v10 =	vadd.f32 v10, v22;
	v14 =	vadd.f32 v14, v23;
	v18 =	vperm.xlane v13, v1  }
0x149: {  	v16 =	vadd.f32 v17, v16;
	v17 =	vperm.xlane v8, v1;
	v21 =	vperm.xlane v9, v1  }
0x14a: {  	v22 =	vperm.xlane v10, v2;
	v23 =	vperm.xlane v14, v2;
	v13 =	vadd.f32 v13, v18  }
0x14b: {  	v18 =	vperm.xlane v16, v2;
	v8 =	vadd.f32 v8, v17;
	v9 =	vadd.f32 v9, v21  }
0x14c: {  	v10 =	vadd.f32 v10, v22;
	v14 =	vadd.f32 v14, v23;
	v17 =	vperm.xlane v13, v2  }
0x14d: {  	v16 =	vadd.f32 v16, v18;
	v18 =	vperm.xlane v8, v2;
	v21 =	vperm.xlane v9, v2  }
0x14e: {  	v22 =	vperm.xlane v10, v3;
	v23 =	vperm.xlane v14, v3;
	v13 =	vadd.f32 v13, v17  }
0x14f: {  	v17 =	vperm.xlane v16, v3;
	v8 =	vadd.f32 v8, v18;
	v9 =	vadd.f32 v9, v21  }
0x150: {  	v10 =	vadd.f32 v10, v22;
	v14 =	vadd.f32 v14, v23;
	v18 =	vperm.xlane v13, v3  }
0x151: {  	v20 =	vadd.f32 v44, v20;
	v16 =	vadd.f32 v16, v17;
	v17 =	vperm.xlane v8, v3  }
0x152: {  	v10 =	vsel vm0, v10, v14;
	v13 =	vadd.f32 v13, v18;
	v14 =	vperm.xlane v9, v3  }
0x153: {  	v10 =	vsel vm1, v10, v16;
	v8 =	vadd.f32 v8, v17;
	v16 =	vperm.xlane v20, v3  }
0x154: {  	v10 =	vsel vm2, v10, v13;
	v9 =	vadd.f32 v9, v14;
	v13 =	vperm.xlane v19, v3  }
0x155: {  	v14 =	vperm.xlane v32, v3;
	v8 =	vsel vm3, v10, v8;
	v10 =	vadd.f32 v20, v16  }
0x156: {  	v8 =	vsel vm4, v8, v9;
	v9 =	vadd.f32 v19, v13;
	v13 =	vperm.xlane v15, v3  }
0x157: {  	v8 =	vsel vm5, v8, v10;
	v10 =	vadd.f32 v32, v14;
	v14 =	vperm.xlane v12, v3  }
0x158: {  	v8 =	vsel vm6, v8, v9;
	v9 =	vadd.f32 v15, v13;
	v13 =	vperm.xlane v11, v3  }
0x159: {  	v8 =	vsel vm7, v8, v10;
	v10 =	vadd.f32 v12, v14;
	v12 =	vperm.xlane v7, v3  }
0x15a: {  	v8 =	vsel vm8, v8, v9;
	v9 =	vadd.f32 v11, v13;
	v11 =	vperm.xlane v6, v3  }
0x15b: {  	v8 =	vsel vm9, v8, v10;
	v7 =	vadd.f32 v7, v12;
	v10 =	vperm.xlane v5, v3  }
0x15c: {  	v8 =	vsel vm10, v8, v9;
	v6 =	vadd.f32 v6, v11;
	v9 =	vperm.xlane v4, v3  }
0x15d: {  	v7 =	vsel vm11, v8, v7;
	v5 =	vadd.f32 v5, v10  }
0x15e: {  	v6 =	vsel vm12, v7, v6;
	v4 =	vadd.f32 v4, v9  }
0x15f: {  	v5 =	vsel vm13, v6, v5  }
0x160: {  	s18 =	sadd.s32 $0x10, s18;
	v4 =	vsel vm14, v5, v4  }
0x161: {  	s19 =	sshra.s32 s20, $0x2;
	[tilespmem:s18+$0x0] =	vst v4  }
0x162: {  	v4 =	vld [tilespmem:s19+$0x7E0]  }
0x163: {  	v5 =	vld [tilespmem:s19+$0x7F0]  }
0x164: {  	v6 =	vld [tilespmem:s19+$0x7C0]  }
0x165: {  	v8 =	vld [tilespmem:s19+$0x7D0]  }
0x166: {  	v9 =	vld [tilespmem:s19+$0x47E0]  }
0x167: {  	v10 =	vld [tilespmem:s19+$0x87E0]  }
0x168: {  	v13 =	vld [tilespmem:s19+$0x47F0]  }
0x169: {  	v14 =	vld [tilespmem:s19+$0x87F0]  }
0x16a: {  	v16 =	vld [tilespmem:s19+$0x7A0]  }
0x16b: {  	v17 =	vld [tilespmem:s19+$0x7B0]  }
0x16c: {  	v18 =	vld [tilespmem:s19+$0x47C0]  }
0x16d: {  	v19 =	vld [tilespmem:s19+$0x87C0]  }
0x16e: {  	v20 =	vld [tilespmem:s19+$0x47D0]  }
0x16f: {  	v21 =	vld [tilespmem:s19+$0x87D0]  }
0x170: {  	v22 =	vld [tilespmem:s19+$0x780]  }
0x171: {  	v23 =	vld [tilespmem:s19+$0x790]  }
0x172: {  	v26 =	vld [tilespmem:s19+$0x47A0]  }
0x173: {  	v27 =	vld [tilespmem:s19+$0x87A0]  }
0x174: {  	v34 =	vld [tilespmem:s19+$0x47B0]  }
0x175: {  	v35 =	vld [tilespmem:s19+$0x87B0]  }
0x176: {  	v7 =	vld [tilespmem:s19+$0x760]  }
0x177: {  	v11 =	vld [tilespmem:s19+$0x770]  }
0x178: {  	v36 =	vld [tilespmem:s19+$0x4780]  }
0x179: {  	v37 =	vld [tilespmem:s19+$0x8780]  }
0x17a: {  	v38 =	vld [tilespmem:s19+$0x4790]  }
0x17b: {  	v39 =	vld [tilespmem:s19+$0x8790]  }
0x17c: {  	v15 =	vld [tilespmem:s19+$0x740]  }
0x17d: {  	v12 =	vld [tilespmem:s19+$0x750]  }
0x17e: {  	v40 =	vld [tilespmem:s19+$0x4760]  }
0x17f: {  	v41 =	vld [tilespmem:s19+$0x8760]  }
0x180: {  	v42 =	vld [tilespmem:s19+$0x4770]  }
0x181: {  	v43 =	vld [tilespmem:s19+$0x8770]  }
0x182: {  	v25 =	vld [tilespmem:s19+$0x720]  }
0x183: {  	v24 =	vld [tilespmem:s19+$0x730]  }
0x184: {  	v44 =	vld [tilespmem:s19+$0x4740]  }
0x185: {  	v45 =	vld [tilespmem:s19+$0x8740]  }
0x186: {  	v46 =	vld [tilespmem:s19+$0x4750]  }
0x187: {  	v47 =	vld [tilespmem:s19+$0x8750]  }
0x188: {  	v33 =	vld [tilespmem:s19+$0x700]  }
0x189: {  	v28 =	vld [tilespmem:s19+$0x710]  }
0x18a: {  	v48 =	vld [tilespmem:s19+$0x4720]  }
0x18b: {  	v49 =	vld [tilespmem:s19+$0x8720]  }
0x18c: {  	v50 =	vld [tilespmem:s19+$0x4730]  }
0x18d: {  	v51 =	vld [tilespmem:s19+$0x8730]  }
0x18e: {  	v29 =	vld [tilespmem:s19+$0x6E0]  }
0x18f: {  	v30 =	vld [tilespmem:s19+$0x6F0]  }
0x190: {  	v52 =	vld [tilespmem:s19+$0x4700]  }
0x191: {  	v53 =	vld [tilespmem:s19+$0x8700]  }
0x192: {  	v54 =	vld [tilespmem:s19+$0x4710]  }
0x193: {  	v55 =	vld [tilespmem:s19+$0x8710]  }
0x194: {  	v9 =	vsub.f32 v9, v10;
	v10 =	vsub.f32 v13, v14;
	v31 =	vld [tilespmem:s19+$0x6C0]  }
0x195: {  	v13 =	vsub.f32 v18, v19;
	v32 =	vld [tilespmem:s19+$0x6D0]  }
0x196: {  	v4 =	vmul.f32 v9, v4;
	v5 =	vmul.f32 v10, v5;
	v14 =	vsub.f32 v20, v21;
	v56 =	vld [tilespmem:s19+$0x46E0]  }
0x197: {  	v6 =	vmul.f32 v13, v6;
	v9 =	vsub.f32 v26, v27;
	v10 =	vsub.f32 v34, v35;
	v57 =	vld [tilespmem:s19+$0x86E0]  }
0x198: {  	v8 =	vmul.f32 v14, v8;
	v13 =	vsub.f32 v36, v37;
	v18 =	vsub.f32 v38, v39;
	v34 =	vld [tilespmem:s19+$0x46F0]  }
0x199: {  	v4 =	vadd.f32 v5, v4;
	v14 =	vmul.f32 v9, v16;
	v16 =	vmul.f32 v10, v17;
	v35 =	vld [tilespmem:s19+$0x86F0]  }
0x19a: {  	v6 =	vadd.f32 v8, v6;
	v5 =	vmul.f32 v13, v22;
	v13 =	vmul.f32 v18, v23;
	v9 =	vld [tilespmem:s19+$0x6A0]  }
0x19b: {  	v8 =	vadd.f32 v16, v14;
	v14 =	vperm.xlane v4, v0;
	v10 =	vld [tilespmem:s19+$0x6B0]  }
0x19c: {  	v5 =	vadd.f32 v13, v5;
	v13 =	vperm.xlane v6, v0;
	v36 =	vld [tilespmem:s19+$0x46C0]  }
0x19d: {  	v16 =	vperm.xlane v8, v0;
	v4 =	vadd.f32 v4, v14;
	v37 =	vld [tilespmem:s19+$0x86C0]  }
0x19e: {  	v14 =	vperm.xlane v5, v0;
	v6 =	vadd.f32 v6, v13;
	v38 =	vld [tilespmem:s19+$0x46D0]  }
0x19f: {  	v17 =	vperm.xlane v4, v1;
	v13 =	vadd.f32 v8, v16;
	v39 =	vld [tilespmem:s19+$0x86D0]  }
0x1a0: {  	v5 =	vadd.f32 v5, v14;
	v14 =	vperm.xlane v6, v1;
	v8 =	vld [tilespmem:s19+$0x680]  }
0x1a1: {  	v4 =	vadd.f32 v4, v17;
	v20 =	vperm.xlane v13, v1;
	v16 =	vld [tilespmem:s19+$0x46A0]  }
0x1a2: {  	v17 =	vperm.xlane v5, v1;
	v6 =	vadd.f32 v6, v14;
	v19 =	vld [tilespmem:s19+$0x86A0]  }
0x1a3: {  	v21 =	vperm.xlane v4, v2;
	v14 =	vadd.f32 v13, v20;
	v18 =	vld [tilespmem:s19+$0x46B0]  }
0x1a4: {  	v17 =	vadd.f32 v5, v17;
	v5 =	vperm.xlane v6, v2;
	v20 =	vld [tilespmem:s19+$0x86B0]  }
0x1a5: {  	v4 =	vadd.f32 v4, v21;
	v26 =	vperm.xlane v14, v2;
	v13 =	vld [tilespmem:s19+$0x660]  }
0x1a6: {  	v21 =	vsub.f32 v40, v41;
	v27 =	vperm.xlane v17, v2;
	v5 =	vadd.f32 v6, v5;
	v22 =	vld [tilespmem:s19+$0x4680]  }
0x1a7: {  	v40 =	vsub.f32 v42, v43;
	v6 =	vadd.f32 v14, v26;
	v23 =	vld [tilespmem:s19+$0x8680]  }
0x1a8: {  	v41 =	vmul.f32 v21, v7;
	v26 =	vsub.f32 v44, v45;
	v7 =	vadd.f32 v17, v27;
	v14 =	vld [tilespmem:s19+$0x4690]  }
0x1a9: {  	v11 =	vmul.f32 v40, v11;
	v42 =	vsub.f32 v46, v47;
	v27 =	vsub.f32 v48, v49;
	v17 =	vld [tilespmem:s19+$0x8690]  }
0x1aa: {  	v15 =	vmul.f32 v26, v15;
	v43 =	vsub.f32 v50, v51;
	v40 =	vsub.f32 v52, v53;
	v21 =	vld [tilespmem:s19+$0x640]  }
0x1ab: {  	v12 =	vmul.f32 v42, v12;
	v45 =	vmul.f32 v27, v25;
	v44 =	vsub.f32 v54, v55;
	v26 =	vld [tilespmem:s19+$0x4660]  }
0x1ac: {  	v11 =	vadd.f32 v11, v41;
	v33 =	vmul.f32 v40, v33;
	v40 =	vmul.f32 v43, v24;
	v27 =	vld [tilespmem:s19+$0x8660]  }
0x1ad: {  	v41 =	vsub.f32 v56, v57;
	v34 =	vsub.f32 v34, v35;
	v35 =	vmul.f32 v44, v28;
	v24 =	vld [tilespmem:s19+$0x4670]  }
0x1ae: {  	v12 =	vadd.f32 v12, v15;
	v15 =	vperm.xlane v11, v0;
	v40 =	vadd.f32 v40, v45;
	v25 =	vld [tilespmem:s19+$0x8670]  }
0x1af: {  	v41 =	vmul.f32 v41, v29;
	v34 =	vmul.f32 v34, v30;
	v35 =	vadd.f32 v35, v33;
	v28 =	vld [tilespmem:s19+$0x600]  }
0x1b0: {  	v36 =	vsub.f32 v36, v37;
	v37 =	vsub.f32 v38, v39;
	v38 =	vperm.xlane v12, v0;
	v29 =	vld [tilespmem:s19+$0x610]  }
0x1b1: {  	v42 =	vperm.xlane v40, v0;
	v39 =	vadd.f32 v34, v41;
	v41 =	vperm.xlane v35, v0;
	v30 =	vld [tilespmem:s19+$0x620]  }
0x1b2: {  	v11 =	vadd.f32 v11, v15;
	v36 =	vmul.f32 v36, v31;
	v32 =	vmul.f32 v37, v32;
	v33 =	vld [tilespmem:s19+$0x4640]  }
0x1b3: {  	v40 =	vadd.f32 v40, v42;
	v15 =	vperm.xlane v39, v0;
	v12 =	vadd.f32 v12, v38;
	v34 =	vld [tilespmem:s19+$0x8640]  }
0x1b4: {  	v41 =	vadd.f32 v35, v41;
	v37 =	vperm.xlane v11, v1;
	v32 =	vadd.f32 v32, v36;
	v31 =	vld [tilespmem:s19+$0x4650]  }
0x1b5: {  	v38 =	vperm.xlane v40, v1;
	v15 =	vadd.f32 v39, v15;
	v39 =	vperm.xlane v12, v1;
	v35 =	vld [tilespmem:s19+$0x4600]  }
0x1b6: {  	v43 =	vperm.xlane v41, v1;
	v11 =	vadd.f32 v11, v37;
	v42 =	vperm.xlane v32, v0;
	v36 =	vld [tilespmem:s19+$0x8600]  }
.Ltmp0:
0x1b7: {  	v47 =	vadd.f32 v40, v38;
	v44 =	vperm.xlane v15, v1;
	v12 =	vadd.f32 v12, v39;
	v37 =	vld [tilespmem:s19+$0x4610];
	(pc) =	sbr.rel @p0 .LBB2_2-.Ltmp0, $4  }
0x1b8: {  	v32 =	vadd.f32 v32, v42;
	v42 =	vadd.f32 v41, v43;
	v41 =	vperm.xlane v11, v2;
	v38 =	vld [tilespmem:s19+$0x8610]  }
0x1b9: {  	v43 =	vadd.f32 v15, v44;
	v15 =	vperm.xlane v47, v2;
	v48 =	vperm.xlane v12, v2;
	v39 =	vld [tilespmem:s19+$0x4620]  }
0x1ba: {  	v44 =	vperm.xlane v32, v1;
	v45 =	vperm.xlane v42, v2;
	v11 =	vadd.f32 v11, v41;
	v40 =	vld [tilespmem:s19+$0x8620]  }
0x1bb: {  	s20 =	sadd.s32 $0x800, s20;
	v46 =	vperm.xlane v43, v2;
	v15 =	vadd.f32 v47, v15;
	v12 =	vadd.f32 v12, v48;
	v41 =	vld [tilespmem:s19+$0x4630]  }
0x1bc: {  	v32 =	vadd.f32 v32, v44  }
0x1bd: {  	v47 =	vld [tilespmem:s19+$0x8630];
	v42 =	vadd.f32 v42, v45;
	v16 =	vsub.f32 v16, v19  }
0x1be: {  	v51 =	vld [tilespmem:s19+$0x8650];
	v22 =	vsub.f32 v22, v23;
	v18 =	vsub.f32 v18, v20  }
0x1bf: {  	v52 =	vld [tilespmem:s19+$0x630];
	v33 =	vsub.f32 v33, v34;
	v26 =	vsub.f32 v26, v27  }
0x1c0: {  	v54 =	vld [tilespmem:s19+$0x650];
	v55 =	vsub.f32 v35, v36;
	v24 =	vsub.f32 v24, v25;
	v53 =	vperm.xlane v32, v2  }
0x1c1: {  	v57 =	vld [tilespmem:s19+$0x670];
	v56 =	vsub.f32 v37, v38;
	v9 =	vmul.f32 v16, v9;
	v10 =	vmul.f32 v18, v10  }
0x1c2: {  	v60 =	vld [tilespmem:s19+$0x690];
	v13 =	vmul.f32 v26, v13;
	v58 =	vsub.f32 v39, v40;
	v59 =	vsub.f32 v41, v47  }
0x1c3: {  	v16 =	vmul.f32 v55, v28;
	v27 =	vmul.f32 v56, v29;
	v61 =	vsub.f32 v31, v51  }
0x1c4: {  	v14 =	vsub.f32 v14, v17;
	v18 =	vmul.f32 v58, v30;
	v62 =	vmul.f32 v59, v52  }
0x1c5: {  	v19 =	vadd.f32 v43, v46;
	v21 =	vmul.f32 v33, v21;
	v23 =	vmul.f32 v61, v54  }
0x1c6: {  	v16 =	vadd.f32 v27, v16;
	v25 =	vmul.f32 v24, v57;
	v63 =	vadd.f32 v62, v18  }
0x1c7: {  	v8 =	vmul.f32 v22, v8;
	v14 =	vmul.f32 v14, v60;
	v21 =	vadd.f32 v23, v21  }
0x1c8: {  	v27 =	vperm.xlane v16, v0;
	v13 =	vadd.f32 v25, v13;
	v28 =	vperm.xlane v63, v0  }
0x1c9: {  	v9 =	vadd.f32 v10, v9;
	v8 =	vadd.f32 v14, v8;
	v29 =	vperm.xlane v21, v0  }
0x1ca: {  	v30 =	vadd.f32 v16, v27;
	v33 =	vperm.xlane v13, v0;
	v31 =	vadd.f32 v63, v28  }
0x1cb: {  	v36 =	vperm.xlane v9, v0;
	v35 =	vperm.xlane v8, v0;
	v34 =	vadd.f32 v21, v29  }
0x1cc: {  	v22 =	vperm.xlane v30, v1;
	v13 =	vadd.f32 v13, v33;
	v23 =	vperm.xlane v31, v1  }
0x1cd: {  	v9 =	vadd.f32 v9, v36;
	v8 =	vadd.f32 v8, v35;
	v37 =	vperm.xlane v34, v1  }
0x1ce: {  	v10 =	vadd.f32 v30, v22;
	v38 =	vperm.xlane v13, v1;
	v14 =	vadd.f32 v31, v23  }
0x1cf: {  	v39 =	vperm.xlane v8, v1;
	v21 =	vperm.xlane v9, v1;
	v16 =	vadd.f32 v34, v37  }
0x1d0: {  	v22 =	vperm.xlane v10, v2;
	v13 =	vadd.f32 v13, v38;
	v23 =	vperm.xlane v14, v2  }
0x1d1: {  	v8 =	vadd.f32 v8, v39;
	v9 =	vadd.f32 v9, v21;
	v40 =	vperm.xlane v16, v2  }
0x1d2: {  	v10 =	vadd.f32 v10, v22;
	v41 =	vperm.xlane v13, v2;
	v14 =	vadd.f32 v14, v23  }
0x1d3: {  	v43 =	vperm.xlane v8, v2;
	v21 =	vperm.xlane v9, v2;
	v16 =	vadd.f32 v16, v40  }
0x1d4: {  	v22 =	vperm.xlane v10, v3;
	v13 =	vadd.f32 v13, v41;
	v23 =	vperm.xlane v14, v3  }
0x1d5: {  	v8 =	vadd.f32 v8, v43;
	v9 =	vadd.f32 v9, v21;
	v44 =	vperm.xlane v16, v3  }
0x1d6: {  	v10 =	vadd.f32 v10, v22;
	v45 =	vperm.xlane v13, v3;
	v14 =	vadd.f32 v14, v23  }
0x1d7: {  	v20 =	vadd.f32 v32, v53;
	v46 =	vperm.xlane v8, v3;
	v16 =	vadd.f32 v16, v44  }
0x1d8: {  	v47 =	vperm.xlane v9, v3;
	v13 =	vadd.f32 v13, v45;
	v10 =	vsel vm0, v10, v14  }
0x1d9: {  	v48 =	vperm.xlane v20, v3;
	v8 =	vadd.f32 v8, v46;
	v10 =	vsel vm1, v10, v16  }
0x1da: {  	v49 =	vperm.xlane v19, v3;
	v9 =	vadd.f32 v9, v47;
	v10 =	vsel vm2, v10, v13  }
0x1db: {  	v51 =	vperm.xlane v42, v3;
	v50 =	vadd.f32 v20, v48;
	v8 =	vsel vm3, v10, v8  }
0x1dc: {  	v53 =	vperm.xlane v15, v3;
	v52 =	vadd.f32 v19, v49;
	v8 =	vsel vm4, v8, v9  }
0x1dd: {  	v55 =	vperm.xlane v12, v3;
	v54 =	vadd.f32 v42, v51;
	v8 =	vsel vm5, v8, v50  }
0x1de: {  	v57 =	vperm.xlane v11, v3;
	v56 =	vadd.f32 v15, v53;
	v8 =	vsel vm6, v8, v52  }
0x1df: {  	v58 =	vadd.f32 v12, v55;
	v59 =	vperm.xlane v7, v3;
	v8 =	vsel vm7, v8, v54  }
0x1e0: {  	v60 =	vadd.f32 v11, v57;
	v61 =	vperm.xlane v6, v3;
	v8 =	vsel vm8, v8, v56  }
0x1e1: {  	v7 =	vadd.f32 v7, v59;
	v62 =	vperm.xlane v5, v3;
	v8 =	vsel vm9, v8, v58  }
0x1e2: {  	v6 =	vadd.f32 v6, v61;
	v63 =	vperm.xlane v4, v3;
	v8 =	vsel vm10, v8, v60  }
0x1e3: {  	v5 =	vadd.f32 v5, v62;
	v7 =	vsel vm11, v8, v7  }
0x1e4: {  	v4 =	vadd.f32 v4, v63;
	v6 =	vsel vm12, v7, v6  }
0x1e5: {  	s17 =	sadd.s32 $0x1, s17;
	v5 =	vsel vm13, v6, v5  }
0x1e6: {  	s18 =	sadd.s32 $0x10, s18;
	p0 =	sne.s32 s17, s9;
	v4 =	vsel vm14, v5, v4  }
.Ltmp1:
0x1e7: {  	[tilespmem:s18+$0x0] =	vst v4;
	(pc) =	sbr.rel @p0 .LBB2_1-.Ltmp1, $4  }
0x1e8: {  	[hbm4b:s8+s1] =	stream.linear.scatter [tilespmem:s16], [sflag:$0x2], $0x200, $0x38;
	[tilespmem:$0xC800] =	vst v63  }
0x1e9: {  	_ =	swait.ge [sflag:s10], $0x200  }
0x1ea: {  	[sflag:s10] =	ssyncset.done $0x0  }
0x1eb: {  	[sflag:s10] =	ssyncadd.s32 $0xFFFFFE00  }
0x1ec: {  	_ =	sfence.sel $0x180000  }
0x1ed: {  	[bflag:$0x0] =	sbarrier.arrive $0xFFFF  }
0x1ee: {  	_ =	strace $0x90000047  }
0x1ef: {  	s0 =	stileid.u32;
	[bflag:$0x2] =	sbarrier.arrive $0xFFFF  }
0x1f0: {  	p0 =	sne.s32 s0, $0x0;
	s0 =	rddreg [dreg:$0x2]  }
0x1f1: {  	s0 =	sadd.s32 @!p0 $0x100000, s0  }
0x1f2: {  	[sflag:s0] =	ssyncadd.tile.s32 @!p0 $0x1;
	_ =	shalt  }
.Lfunc_end2:
_tile_overlayer_lowered:
.L_overlay_start_2:
0x1f3: {  	(tag) =	ssettag $0x2  }
0x1f4: {  	s0 =	rddreg [dreg:$0x0];
	s2 =	stileid.u32  }
0x1f5: {  	s1 =	rddreg [dreg:$0x1];
	p0 =	sne.s32 s2, $0x0  }
0x1f6: {  	s3 =	rddreg [dreg:$0x2];
	[bflag:$0x3] =	sbarrier.arrive $0xFFFF;
	s2 =	simm.s32 @!p0 $0x1C02  }
0x1f7: {  	[timem:s3], [sflag:s2] =	dma.local @!p0 [hbm:s0], s1  }
0x1f8: {  	s0 =	simm.s32 @!p0 $0x2  }
0x1f9: {  	_ =	swait.ge @!p0 [sflag:s0], s1  }
0x1fa: {  	s1 =	ssub.s32 @!p0 $0x0, s1;
	[sflag:s0] =	ssyncset.done @!p0 $0x0  }
0x1fb: {  	[sflag:s0] =	ssyncadd.s32 @!p0 s1  }
0x1fc: {  	[bflag:$0x3] =	sbarrier.arrive $0xFFFF  }
0x1fd: {  	_ =	shalt  }

</sc_bundles>
